<compile_context>
chip_gen: v7x
topology: tpu7x:2x2x1
jax: 0.10.2.dev20260603
libtpu: 0.0.44.dev20260713+nightly
codegen_flags: <defaults>
</compile_context>

<pallas_src>
import dataclasses
import functools

import jax
import jax.numpy as jnp
from jax import lax
from jax.experimental import pallas as pl
from jax.experimental.pallas import tpu as pltpu
from jax.experimental.pallas import tpu_sc as plsc

N_NODES = 10000
N_EDGES = 320000
IN_F = 128
OUT_F = 128

NC = 2
NS = 16
NW = NC * NS
L = 16
CB = 64
KQ = 32
KC0 = 256
KC1 = 64
DEPTH = 4
TOT_CHUNKS = NS * (KC0 + KC1)
E_PAD = TOT_CHUNKS * CB
N_PAD = 10240
RPS = N_PAD // NS

_f32 = jnp.float32


def _mm_body(x_ref, w_ref, o_ref):
    o_ref[...] = jnp.dot(x_ref[...], w_ref[...],
                         preferred_element_type=_f32)


def _matmul(x, W):
    grid = 10
    blk = N_NODES // grid
    return pl.pallas_call(
        _mm_body,
        grid=(grid,),
        in_specs=[
            pl.BlockSpec((blk, IN_F), lambda i: (i, 0)),
            pl.BlockSpec((IN_F, OUT_F), lambda i: (0, 0)),
        ],
        out_specs=pl.BlockSpec((blk, OUT_F), lambda i: (i, 0)),
        out_shape=jax.ShapeDtypeStruct((N_NODES, OUT_F), _f32),
    )(x, W)


def _sc_body(h_hbm, src_hbm, dst_hbm, w_hbm, out_hbm,
             acc, src_v, dst_v, w_v, *rest):
    bufs = rest[:DEPTH]
    sems = rest[DEPTH:]
    c = lax.axis_index("c")
    s = lax.axis_index("s")

    z = bufs[0]
    @pl.loop(0, CB)
    def _(i):
        for j in range(OUT_F // L):
            z[i, pl.ds(j * L, L)] = jnp.zeros((L,), _f32)

    base = s * RPS
    for t in range(RPS // CB):
        pltpu.sync_copy(z, acc.at[pl.ds(base + t * CB, CB)])
    plsc.subcore_barrier()

    def pipeline(chunk0, nph):
        @pl.loop(0, nph)
        def _(p):
            off = pl.multiple_of(chunk0 + p * KQ, 8)
            pltpu.sync_copy(src_hbm.at[pl.ds(off, KQ)], src_v)
            pltpu.sync_copy(dst_hbm.at[pl.ds(off, KQ)], dst_v)
            pltpu.sync_copy(w_hbm.at[pl.ds(off, KQ)], w_v)

            for b in range(DEPTH):
                pltpu.async_copy(h_hbm.at[src_v.at[b]], bufs[b], sems[b])

            @pl.loop(0, KQ, step=DEPTH)
            def _(k):
                for b in range(DEPTH):
                    cur, csem = bufs[b], sems[b]
                    kk = k + b
                    pltpu.make_async_copy(h_hbm.at[src_v.at[kk]], cur,
                                          csem).wait()

                    @pl.loop(0, CB)
                    def _(i):
                        wv = plsc.load_gather(
                            w_v.at[kk], [jnp.full((L,), i, jnp.int32)])
                        for j in range(OUT_F // L):
                            sl = pl.ds(j * L, L)
                            cur[i, sl] = cur[i, sl] * wv

                    pltpu.sync_copy(cur, acc.at[dst_v.at[kk]], add=True)

                    @pl.when(kk + DEPTH < KQ)
                    def _():
                        pltpu.async_copy(h_hbm.at[src_v.at[kk + DEPTH]],
                                         cur, csem)

    @pl.when(c == 0)
    def _():
        pipeline(s * KC0, KC0 // KQ)

    @pl.when(c == 1)
    def _():
        pipeline(NS * KC0 + s * KC1, KC1 // KQ)

    plsc.subcore_barrier()
    pltpu.sync_copy(acc.at[pl.ds(base, RPS)],
                    out_hbm.at[c, pl.ds(base, RPS)])


def _sc_scatter(h, src3, dst3, w3):
    mesh = plsc.VectorSubcoreMesh(core_axis_name="c", subcore_axis_name="s")
    cp = pltpu.CompilerParams()
    if "needs_layout_passes" in pltpu.CompilerParams.__dataclass_fields__:
        cp = dataclasses.replace(cp, needs_layout_passes=False)
    fn = pl.kernel(
        _sc_body,
        mesh=mesh,
        out_type=jax.ShapeDtypeStruct((NC, N_PAD, OUT_F), _f32),
        scratch_types=[
            pltpu.VMEM_SHARED((N_PAD, OUT_F), _f32),
            pltpu.VMEM((KQ, CB), jnp.int32),
            pltpu.VMEM((KQ, CB), jnp.int32),
            pltpu.VMEM((KQ, CB), _f32),
        ] + [pltpu.VMEM((CB, OUT_F), _f32) for _ in range(DEPTH)]
          + [pltpu.SemaphoreType.DMA for _ in range(DEPTH)],
        compiler_params=cp,
    )
    return fn(h, src3, dst3, w3)


def _combine_body(acc_ref, b_ref, o_ref):
    o_ref[...] = acc_ref[0] + acc_ref[1] + b_ref[...]


def _combine(acc, b):
    grid = 10
    blk = N_NODES // grid
    return pl.pallas_call(
        _combine_body,
        grid=(grid,),
        in_specs=[
            pl.BlockSpec((NC, blk, OUT_F), lambda i: (0, i, 0)),
            pl.BlockSpec((1, OUT_F), lambda i: (0, 0)),
        ],
        out_specs=pl.BlockSpec((blk, OUT_F), lambda i: (i, 0)),
        out_shape=jax.ShapeDtypeStruct((N_NODES, OUT_F), _f32),
    )(acc, b.reshape(1, OUT_F))


def kernel(x, edge_index, edge_weight, W, b):
    src = edge_index[1].astype(jnp.int32)
    dst = edge_index[0].astype(jnp.int32)
    pad = E_PAD - N_EDGES
    src3 = jnp.pad(src, (0, pad)).reshape(TOT_CHUNKS, CB)
    dst3 = jnp.pad(dst, (0, pad)).reshape(TOT_CHUNKS, CB)
    w3 = jnp.pad(edge_weight.astype(_f32), (0, pad)).reshape(TOT_CHUNKS, CB)

    h = _matmul(x.astype(_f32), W.astype(_f32))
    acc = _sc_scatter(h, src3, dst3, w3)
    return _combine(acc, b.astype(_f32))

# --- scband reference (transcript-rebuilt; emitter-appended) ---
"""Pipeline reference for scband-graph-convolution-13675175871113 (READ-ONLY COPY).

The authoritative reference and input builder live on the scoring server;
editing this copy changes nothing except your own understanding.
"""

import jax, jax.numpy as jnp
import numpy as np
import math

N_NODES = 10000
N_EDGES = 320000
IN_F = 128
OUT_F = 128


def setup_inputs(seed: int = 0) -> dict:
    key = jax.random.key(seed)
    k1, k2, k3, k4, k5 = jax.random.split(key, 5)
    x = jax.random.normal(k1, (N_NODES, IN_F), dtype=jnp.float32)
    edge_index = jax.random.randint(k2, (2, N_EDGES), 0, N_NODES, dtype=jnp.int64)
    edge_weight = jax.random.uniform(k3, (N_EDGES,), dtype=jnp.float32)
    stdv = 1.0 / math.sqrt(OUT_F)
    W = jax.random.uniform(k4, (IN_F, OUT_F), minval=-stdv, maxval=stdv, dtype=jnp.float32)
    b = jax.random.uniform(k5, (OUT_F,), minval=-stdv, maxval=stdv, dtype=jnp.float32)
    return {"x": x, "edge_index": edge_index, "edge_weight": edge_weight, "W": W, "b": b}


def reference(x, edge_index, edge_weight, W, b):
    # matmul = input @ weight
    h = jnp.matmul(x, W)
    # spmm = adj @ matmul, where adj is sparse COO:
    # adj[dst, src] = edge_weight  ->  out[dst] = sum_e w_e * h[src_e]
    src = edge_index[1]
    dst = edge_index[0]
    gathered = jnp.take(h, src, axis=0) * edge_weight[:, None]
    out = jax.ops.segment_sum(gathered, dst, num_segments=N_NODES)
    # bias add
    out = out + b
    return out

if __name__ == "__main__":
    import jax
    _d = setup_inputs()
    print(jax.jit(kernel)(*tuple(_d.values())))

</pallas_src>

<mosaic_0001>
#map = affine_map<(d0, d1) -> (0, 0)>
#map1 = affine_map<(d0, d1) -> (0, 0, 0)>
module attributes {stable_mosaic.version = 14 : i64} {
  func.func @_sc_body(%arg0: i32, %arg1: i32, %arg2: memref<10000x128xf32, #tpu.memory_space<hbm>>, %arg3: memref<5120x64xi32, #tpu.memory_space<hbm>>, %arg4: memref<5120x64xi32, #tpu.memory_space<hbm>>, %arg5: memref<5120x64xf32, #tpu.memory_space<hbm>>, %arg6: memref<2x10240x128xf32, #tpu.memory_space<hbm>>, %arg7: memref<10240x128xf32, #tpu.memory_space<vmem_shared>>, %arg8: memref<32x64xi32, #tpu.memory_space<vmem>>, %arg9: memref<32x64xi32, #tpu.memory_space<vmem>>, %arg10: memref<32x64xf32, #tpu.memory_space<vmem>>, %arg11: memref<64x128xf32, #tpu.memory_space<vmem>>, %arg12: memref<64x128xf32, #tpu.memory_space<vmem>>, %arg13: memref<64x128xf32, #tpu.memory_space<vmem>>, %arg14: memref<64x128xf32, #tpu.memory_space<vmem>>, %arg15: memref<!tpu.dma_semaphore, #tpu.memory_space<semaphore_mem>>, %arg16: memref<!tpu.dma_semaphore, #tpu.memory_space<semaphore_mem>>, %arg17: memref<!tpu.dma_semaphore, #tpu.memory_space<semaphore_mem>>, %arg18: memref<!tpu.dma_semaphore, #tpu.memory_space<semaphore_mem>>) attributes {dimension_semantics = [#tpu.dimension_semantics<core_parallel>, #tpu.dimension_semantics<subcore_parallel>], iteration_bounds = array<i64: 2, 16>, scalar_prefetch = 0 : i64, scratch_operands = 12 : i64, tpu.core_type = #tpu.core_type<sc_vector_subcore>, window_params = [{transform_indices = #map}, {transform_indices = #map}, {transform_indices = #map}, {transform_indices = #map}, {transform_indices = #map1}]} {
    %scan3A = arith.constant 0 : i32
    %scan3A_0 = arith.constant 64 : i32
    %scan3A_1 = arith.addi %scan3A, %scan3A_0 : i32
    %scan3A_2 = arith.constant 1 : i32
    scf.for %scan3A_32 = %scan3A to %scan3A_1 step %scan3A_2  : i32 {
      %mul3A_33 = arith.constant 1 : i32
      %mul3A_34 = arith.muli %scan3A_32, %mul3A_33 : i32
      %add3A_35 = arith.constant 0 : i32
      %add3A_36 = arith.addi %add3A_35, %mul3A_34 : i32
      %broadcast_in_dim3A = arith.constant 0.000000e+00 : f32
      %broadcast_in_dim3A_37 = vector.broadcast %broadcast_in_dim3A : f32 to vector<16xf32>
      %swap3A = arith.index_cast %add3A_36 : i32 to index
      %swap3A_38 = arith.constant 0 : index
      %swap3A_39 = tpu.vector_load %arg11[%swap3A, %swap3A_38] {strides = array<i32>} : memref<64x128xf32, #tpu.memory_space<vmem>>, vector<16xf32>,
      tpu.vector_store %arg11[%swap3A, %swap3A_38], %broadcast_in_dim3A_37 {strides = array<i32>} : memref<64x128xf32, #tpu.memory_space<vmem>>, vector<16xf32>,
      %broadcast_in_dim3A_40 = arith.constant 0.000000e+00 : f32
      %broadcast_in_dim3A_41 = vector.broadcast %broadcast_in_dim3A_40 : f32 to vector<16xf32>
      %swap3A_42 = arith.index_cast %add3A_36 : i32 to index
      %swap3A_43 = arith.constant 16 : index
      %swap3A_44 = tpu.vector_load %arg11[%swap3A_42, %swap3A_43] {strides = array<i32>} : memref<64x128xf32, #tpu.memory_space<vmem>>, vector<16xf32>,
      tpu.vector_store %arg11[%swap3A_42, %swap3A_43], %broadcast_in_dim3A_41 {strides = array<i32>} : memref<64x128xf32, #tpu.memory_space<vmem>>, vector<16xf32>,
      %broadcast_in_dim3A_45 = arith.constant 0.000000e+00 : f32
      %broadcast_in_dim3A_46 = vector.broadcast %broadcast_in_dim3A_45 : f32 to vector<16xf32>
      %swap3A_47 = arith.index_cast %add3A_36 : i32 to index
      %swap3A_48 = arith.constant 32 : index
      %swap3A_49 = tpu.vector_load %arg11[%swap3A_47, %swap3A_48] {strides = array<i32>} : memref<64x128xf32, #tpu.memory_space<vmem>>, vector<16xf32>,
      tpu.vector_store %arg11[%swap3A_47, %swap3A_48], %broadcast_in_dim3A_46 {strides = array<i32>} : memref<64x128xf32, #tpu.memory_space<vmem>>, vector<16xf32>,
      %broadcast_in_dim3A_50 = arith.constant 0.000000e+00 : f32
      %broadcast_in_dim3A_51 = vector.broadcast %broadcast_in_dim3A_50 : f32 to vector<16xf32>
      %swap3A_52 = arith.index_cast %add3A_36 : i32 to index
      %swap3A_53 = arith.constant 48 : index
      %swap3A_54 = tpu.vector_load %arg11[%swap3A_52, %swap3A_53] {strides = array<i32>} : memref<64x128xf32, #tpu.memory_space<vmem>>, vector<16xf32>,
      tpu.vector_store %arg11[%swap3A_52, %swap3A_53], %broadcast_in_dim3A_51 {strides = array<i32>} : memref<64x128xf32, #tpu.memory_space<vmem>>, vector<16xf32>,
      %broadcast_in_dim3A_55 = arith.constant 0.000000e+00 : f32
      %broadcast_in_dim3A_56 = vector.broadcast %broadcast_in_dim3A_55 : f32 to vector<16xf32>
      %swap3A_57 = arith.index_cast %add3A_36 : i32 to index
      %swap3A_58 = arith.constant 64 : index
      %swap3A_59 = tpu.vector_load %arg11[%swap3A_57, %swap3A_58] {strides = array<i32>} : memref<64x128xf32, #tpu.memory_space<vmem>>, vector<16xf32>,
      tpu.vector_store %arg11[%swap3A_57, %swap3A_58], %broadcast_in_dim3A_56 {strides = array<i32>} : memref<64x128xf32, #tpu.memory_space<vmem>>, vector<16xf32>,
      %broadcast_in_dim3A_60 = arith.constant 0.000000e+00 : f32
      %broadcast_in_dim3A_61 = vector.broadcast %broadcast_in_dim3A_60 : f32 to vector<16xf32>
      %swap3A_62 = arith.index_cast %add3A_36 : i32 to index
      %swap3A_63 = arith.constant 80 : index
      %swap3A_64 = tpu.vector_load %arg11[%swap3A_62, %swap3A_63] {strides = array<i32>} : memref<64x128xf32, #tpu.memory_space<vmem>>, vector<16xf32>,
      tpu.vector_store %arg11[%swap3A_62, %swap3A_63], %broadcast_in_dim3A_61 {strides = array<i32>} : memref<64x128xf32, #tpu.memory_space<vmem>>, vector<16xf32>,
      %broadcast_in_dim3A_65 = arith.constant 0.000000e+00 : f32
      %broadcast_in_dim3A_66 = vector.broadcast %broadcast_in_dim3A_65 : f32 to vector<16xf32>
      %swap3A_67 = arith.index_cast %add3A_36 : i32 to index
      %swap3A_68 = arith.constant 96 : index
      %swap3A_69 = tpu.vector_load %arg11[%swap3A_67, %swap3A_68] {strides = array<i32>} : memref<64x128xf32, #tpu.memory_space<vmem>>, vector<16xf32>,
      tpu.vector_store %arg11[%swap3A_67, %swap3A_68], %broadcast_in_dim3A_66 {strides = array<i32>} : memref<64x128xf32, #tpu.memory_space<vmem>>, vector<16xf32>,
      %broadcast_in_dim3A_70 = arith.constant 0.000000e+00 : f32
      %broadcast_in_dim3A_71 = vector.broadcast %broadcast_in_dim3A_70 : f32 to vector<16xf32>
      %swap3A_72 = arith.index_cast %add3A_36 : i32 to index
      %swap3A_73 = arith.constant 112 : index
      %swap3A_74 = tpu.vector_load %arg11[%swap3A_72, %swap3A_73] {strides = array<i32>} : memref<64x128xf32, #tpu.memory_space<vmem>>, vector<16xf32>,
      tpu.vector_store %arg11[%swap3A_72, %swap3A_73], %broadcast_in_dim3A_71 {strides = array<i32>} : memref<64x128xf32, #tpu.memory_space<vmem>>, vector<16xf32>,
    }
    %scan3A_3 = arith.constant 64 : i32
    %mul3A = arith.constant 640 : i32
    %mul3A_4 = arith.muli %arg1, %mul3A : i32
    %add3A = arith.constant 0 : i32
    %add3A_5 = arith.addi %mul3A_4, %add3A : i32
    "tpu.region"() ({
      %run_scoped3A = tpu.sem_alloc : memref<!tpu.dma_semaphore, #tpu.memory_space<semaphore_mem>>
      %dma_start3A = arith.constant 0 : i32
      %dma_start3A_32 = tpu.memref_slice %arg7[%add3A_5, %dma_start3A] : memref<10240x128xf32, #tpu.memory_space<vmem_shared>> -> memref<64x128xf32, #tpu.memory_space<vmem_shared>>
      %dma_start3A_33 = arith.constant 0 : i32
      %dma_start3A_34 = tpu.memref_slice %arg7[%add3A_5, %dma_start3A_33] : memref<10240x128xf32, #tpu.memory_space<vmem_shared>> -> memref<64x128xf32, #tpu.memory_space<vmem_shared>>
      tpu.enqueue_dma source(%arg11 : memref<64x128xf32, #tpu.memory_space<vmem>>) target(%dma_start3A_34 : memref<64x128xf32, #tpu.memory_space<vmem_shared>>) target_semaphore(%run_scoped3A : memref<!tpu.dma_semaphore, #tpu.memory_space<semaphore_mem>>)
      %dma_wait3A = arith.constant 0 : i32
      %dma_wait3A_35 = tpu.memref_slice %arg7[%add3A_5, %dma_wait3A] : memref<10240x128xf32, #tpu.memory_space<vmem_shared>> -> memref<64x128xf32, #tpu.memory_space<vmem_shared>>
      %dma_wait3A_36 = arith.constant 0 : i32
      %dma_wait3A_37 = tpu.memref_slice %arg7[%add3A_5, %dma_wait3A_36] : memref<10240x128xf32, #tpu.memory_space<vmem_shared>> -> memref<64x128xf32, #tpu.memory_space<vmem_shared>>
      tpu.wait_dma2 semaphore(%run_scoped3A : memref<!tpu.dma_semaphore, #tpu.memory_space<semaphore_mem>>) src(%arg11 : memref<64x128xf32, #tpu.memory_space<vmem>>) dst(%dma_wait3A_37 : memref<64x128xf32, #tpu.memory_space<vmem_shared>>)
      tpu.yield
    }) : () -> ()
    %add3A_6 = arith.constant 64 : i32
    %add3A_7 = arith.addi %mul3A_4, %add3A_6 : i32
    "tpu.region"() ({
      %run_scoped3A = tpu.sem_alloc : memref<!tpu.dma_semaphore, #tpu.memory_space<semaphore_mem>>
      %dma_start3A = arith.constant 0 : i32
      %dma_start3A_32 = tpu.memref_slice %arg7[%add3A_7, %dma_start3A] : memref<10240x128xf32, #tpu.memory_space<vmem_shared>> -> memref<64x128xf32, #tpu.memory_space<vmem_shared>>
      %dma_start3A_33 = arith.constant 0 : i32
      %dma_start3A_34 = tpu.memref_slice %arg7[%add3A_7, %dma_start3A_33] : memref<10240x128xf32, #tpu.memory_space<vmem_shared>> -> memref<64x128xf32, #tpu.memory_space<vmem_shared>>
      tpu.enqueue_dma source(%arg11 : memref<64x128xf32, #tpu.memory_space<vmem>>) target(%dma_start3A_34 : memref<64x128xf32, #tpu.memory_space<vmem_shared>>) target_semaphore(%run_scoped3A : memref<!tpu.dma_semaphore, #tpu.memory_space<semaphore_mem>>)
      %dma_wait3A = arith.constant 0 : i32
      %dma_wait3A_35 = tpu.memref_slice %arg7[%add3A_7, %dma_wait3A] : memref<10240x128xf32, #tpu.memory_space<vmem_shared>> -> memref<64x128xf32, #tpu.memory_space<vmem_shared>>
      %dma_wait3A_36 = arith.constant 0 : i32
      %dma_wait3A_37 = tpu.memref_slice %arg7[%add3A_7, %dma_wait3A_36] : memref<10240x128xf32, #tpu.memory_space<vmem_shared>> -> memref<64x128xf32, #tpu.memory_space<vmem_shared>>
      tpu.wait_dma2 semaphore(%run_scoped3A : memref<!tpu.dma_semaphore, #tpu.memory_space<semaphore_mem>>) src(%arg11 : memref<64x128xf32, #tpu.memory_space<vmem>>) dst(%dma_wait3A_37 : memref<64x128xf32, #tpu.memory_space<vmem_shared>>)
      tpu.yield
    }) : () -> ()
    %add3A_8 = arith.constant 128 : i32
    %add3A_9 = arith.addi %mul3A_4, %add3A_8 : i32
    "tpu.region"() ({
      %run_scoped3A = tpu.sem_alloc : memref<!tpu.dma_semaphore, #tpu.memory_space<semaphore_mem>>
      %dma_start3A = arith.constant 0 : i32
      %dma_start3A_32 = tpu.memref_slice %arg7[%add3A_9, %dma_start3A] : memref<10240x128xf32, #tpu.memory_space<vmem_shared>> -> memref<64x128xf32, #tpu.memory_space<vmem_shared>>
      %dma_start3A_33 = arith.constant 0 : i32
      %dma_start3A_34 = tpu.memref_slice %arg7[%add3A_9, %dma_start3A_33] : memref<10240x128xf32, #tpu.memory_space<vmem_shared>> -> memref<64x128xf32, #tpu.memory_space<vmem_shared>>
      tpu.enqueue_dma source(%arg11 : memref<64x128xf32, #tpu.memory_space<vmem>>) target(%dma_start3A_34 : memref<64x128xf32, #tpu.memory_space<vmem_shared>>) target_semaphore(%run_scoped3A : memref<!tpu.dma_semaphore, #tpu.memory_space<semaphore_mem>>)
      %dma_wait3A = arith.constant 0 : i32
      %dma_wait3A_35 = tpu.memref_slice %arg7[%add3A_9, %dma_wait3A] : memref<10240x128xf32, #tpu.memory_space<vmem_shared>> -> memref<64x128xf32, #tpu.memory_space<vmem_shared>>
      %dma_wait3A_36 = arith.constant 0 : i32
      %dma_wait3A_37 = tpu.memref_slice %arg7[%add3A_9, %dma_wait3A_36] : memref<10240x128xf32, #tpu.memory_space<vmem_shared>> -> memref<64x128xf32, #tpu.memory_space<vmem_shared>>
      tpu.wait_dma2 semaphore(%run_scoped3A : memref<!tpu.dma_semaphore, #tpu.memory_space<semaphore_mem>>) src(%arg11 : memref<64x128xf32, #tpu.memory_space<vmem>>) dst(%dma_wait3A_37 : memref<64x128xf32, #tpu.memory_space<vmem_shared>>)
      tpu.yield
    }) : () -> ()
    %add3A_10 = arith.constant 192 : i32
    %add3A_11 = arith.addi %mul3A_4, %add3A_10 : i32
    "tpu.region"() ({
      %run_scoped3A = tpu.sem_alloc : memref<!tpu.dma_semaphore, #tpu.memory_space<semaphore_mem>>
      %dma_start3A = arith.constant 0 : i32
      %dma_start3A_32 = tpu.memref_slice %arg7[%add3A_11, %dma_start3A] : memref<10240x128xf32, #tpu.memory_space<vmem_shared>> -> memref<64x128xf32, #tpu.memory_space<vmem_shared>>
      %dma_start3A_33 = arith.constant 0 : i32
      %dma_start3A_34 = tpu.memref_slice %arg7[%add3A_11, %dma_start3A_33] : memref<10240x128xf32, #tpu.memory_space<vmem_shared>> -> memref<64x128xf32, #tpu.memory_space<vmem_shared>>
      tpu.enqueue_dma source(%arg11 : memref<64x128xf32, #tpu.memory_space<vmem>>) target(%dma_start3A_34 : memref<64x128xf32, #tpu.memory_space<vmem_shared>>) target_semaphore(%run_scoped3A : memref<!tpu.dma_semaphore, #tpu.memory_space<semaphore_mem>>)
      %dma_wait3A = arith.constant 0 : i32
      %dma_wait3A_35 = tpu.memref_slice %arg7[%add3A_11, %dma_wait3A] : memref<10240x128xf32, #tpu.memory_space<vmem_shared>> -> memref<64x128xf32, #tpu.memory_space<vmem_shared>>
      %dma_wait3A_36 = arith.constant 0 : i32
      %dma_wait3A_37 = tpu.memref_slice %arg7[%add3A_11, %dma_wait3A_36] : memref<10240x128xf32, #tpu.memory_space<vmem_shared>> -> memref<64x128xf32, #tpu.memory_space<vmem_shared>>
      tpu.wait_dma2 semaphore(%run_scoped3A : memref<!tpu.dma_semaphore, #tpu.memory_space<semaphore_mem>>) src(%arg11 : memref<64x128xf32, #tpu.memory_space<vmem>>) dst(%dma_wait3A_37 : memref<64x128xf32, #tpu.memory_space<vmem_shared>>)
      tpu.yield
    }) : () -> ()
    %add3A_12 = arith.constant 256 : i32
    %add3A_13 = arith.addi %mul3A_4, %add3A_12 : i32
    "tpu.region"() ({
      %run_scoped3A = tpu.sem_alloc : memref<!tpu.dma_semaphore, #tpu.memory_space<semaphore_mem>>
      %dma_start3A = arith.constant 0 : i32
      %dma_start3A_32 = tpu.memref_slice %arg7[%add3A_13, %dma_start3A] : memref<10240x128xf32, #tpu.memory_space<vmem_shared>> -> memref<64x128xf32, #tpu.memory_space<vmem_shared>>
      %dma_start3A_33 = arith.constant 0 : i32
      %dma_start3A_34 = tpu.memref_slice %arg7[%add3A_13, %dma_start3A_33] : memref<10240x128xf32, #tpu.memory_space<vmem_shared>> -> memref<64x128xf32, #tpu.memory_space<vmem_shared>>
      tpu.enqueue_dma source(%arg11 : memref<64x128xf32, #tpu.memory_space<vmem>>) target(%dma_start3A_34 : memref<64x128xf32, #tpu.memory_space<vmem_shared>>) target_semaphore(%run_scoped3A : memref<!tpu.dma_semaphore, #tpu.memory_space<semaphore_mem>>)
      %dma_wait3A = arith.constant 0 : i32
      %dma_wait3A_35 = tpu.memref_slice %arg7[%add3A_13, %dma_wait3A] : memref<10240x128xf32, #tpu.memory_space<vmem_shared>> -> memref<64x128xf32, #tpu.memory_space<vmem_shared>>
      %dma_wait3A_36 = arith.constant 0 : i32
      %dma_wait3A_37 = tpu.memref_slice %arg7[%add3A_13, %dma_wait3A_36] : memref<10240x128xf32, #tpu.memory_space<vmem_shared>> -> memref<64x128xf32, #tpu.memory_space<vmem_shared>>
      tpu.wait_dma2 semaphore(%run_scoped3A : memref<!tpu.dma_semaphore, #tpu.memory_space<semaphore_mem>>) src(%arg11 : memref<64x128xf32, #tpu.memory_space<vmem>>) dst(%dma_wait3A_37 : memref<64x128xf32, #tpu.memory_space<vmem_shared>>)
      tpu.yield
    }) : () -> ()
    %add3A_14 = arith.constant 320 : i32
    %add3A_15 = arith.addi %mul3A_4, %add3A_14 : i32
    "tpu.region"() ({
      %run_scoped3A = tpu.sem_alloc : memref<!tpu.dma_semaphore, #tpu.memory_space<semaphore_mem>>
      %dma_start3A = arith.constant 0 : i32
      %dma_start3A_32 = tpu.memref_slice %arg7[%add3A_15, %dma_start3A] : memref<10240x128xf32, #tpu.memory_space<vmem_shared>> -> memref<64x128xf32, #tpu.memory_space<vmem_shared>>
      %dma_start3A_33 = arith.constant 0 : i32
      %dma_start3A_34 = tpu.memref_slice %arg7[%add3A_15, %dma_start3A_33] : memref<10240x128xf32, #tpu.memory_space<vmem_shared>> -> memref<64x128xf32, #tpu.memory_space<vmem_shared>>
      tpu.enqueue_dma source(%arg11 : memref<64x128xf32, #tpu.memory_space<vmem>>) target(%dma_start3A_34 : memref<64x128xf32, #tpu.memory_space<vmem_shared>>) target_semaphore(%run_scoped3A : memref<!tpu.dma_semaphore, #tpu.memory_space<semaphore_mem>>)
      %dma_wait3A = arith.constant 0 : i32
      %dma_wait3A_35 = tpu.memref_slice %arg7[%add3A_15, %dma_wait3A] : memref<10240x128xf32, #tpu.memory_space<vmem_shared>> -> memref<64x128xf32, #tpu.memory_space<vmem_shared>>
      %dma_wait3A_36 = arith.constant 0 : i32
      %dma_wait3A_37 = tpu.memref_slice %arg7[%add3A_15, %dma_wait3A_36] : memref<10240x128xf32, #tpu.memory_space<vmem_shared>> -> memref<64x128xf32, #tpu.memory_space<vmem_shared>>
      tpu.wait_dma2 semaphore(%run_scoped3A : memref<!tpu.dma_semaphore, #tpu.memory_space<semaphore_mem>>) src(%arg11 : memref<64x128xf32, #tpu.memory_space<vmem>>) dst(%dma_wait3A_37 : memref<64x128xf32, #tpu.memory_space<vmem_shared>>)
      tpu.yield
    }) : () -> ()
    %add3A_16 = arith.constant 384 : i32
    %add3A_17 = arith.addi %mul3A_4, %add3A_16 : i32
    "tpu.region"() ({
      %run_scoped3A = tpu.sem_alloc : memref<!tpu.dma_semaphore, #tpu.memory_space<semaphore_mem>>
      %dma_start3A = arith.constant 0 : i32
      %dma_start3A_32 = tpu.memref_slice %arg7[%add3A_17, %dma_start3A] : memref<10240x128xf32, #tpu.memory_space<vmem_shared>> -> memref<64x128xf32, #tpu.memory_space<vmem_shared>>
      %dma_start3A_33 = arith.constant 0 : i32
      %dma_start3A_34 = tpu.memref_slice %arg7[%add3A_17, %dma_start3A_33] : memref<10240x128xf32, #tpu.memory_space<vmem_shared>> -> memref<64x128xf32, #tpu.memory_space<vmem_shared>>
      tpu.enqueue_dma source(%arg11 : memref<64x128xf32, #tpu.memory_space<vmem>>) target(%dma_start3A_34 : memref<64x128xf32, #tpu.memory_space<vmem_shared>>) target_semaphore(%run_scoped3A : memref<!tpu.dma_semaphore, #tpu.memory_space<semaphore_mem>>)
      %dma_wait3A = arith.constant 0 : i32
      %dma_wait3A_35 = tpu.memref_slice %arg7[%add3A_17, %dma_wait3A] : memref<10240x128xf32, #tpu.memory_space<vmem_shared>> -> memref<64x128xf32, #tpu.memory_space<vmem_shared>>
      %dma_wait3A_36 = arith.constant 0 : i32
      %dma_wait3A_37 = tpu.memref_slice %arg7[%add3A_17, %dma_wait3A_36] : memref<10240x128xf32, #tpu.memory_space<vmem_shared>> -> memref<64x128xf32, #tpu.memory_space<vmem_shared>>
      tpu.wait_dma2 semaphore(%run_scoped3A : memref<!tpu.dma_semaphore, #tpu.memory_space<semaphore_mem>>) src(%arg11 : memref<64x128xf32, #tpu.memory_space<vmem>>) dst(%dma_wait3A_37 : memref<64x128xf32, #tpu.memory_space<vmem_shared>>)
      tpu.yield
    }) : () -> ()
    %add3A_18 = arith.constant 448 : i32
    %add3A_19 = arith.addi %mul3A_4, %add3A_18 : i32
    "tpu.region"() ({
      %run_scoped3A = tpu.sem_alloc : memref<!tpu.dma_semaphore, #tpu.memory_space<semaphore_mem>>
      %dma_start3A = arith.constant 0 : i32
      %dma_start3A_32 = tpu.memref_slice %arg7[%add3A_19, %dma_start3A] : memref<10240x128xf32, #tpu.memory_space<vmem_shared>> -> memref<64x128xf32, #tpu.memory_space<vmem_shared>>
      %dma_start3A_33 = arith.constant 0 : i32
      %dma_start3A_34 = tpu.memref_slice %arg7[%add3A_19, %dma_start3A_33] : memref<10240x128xf32, #tpu.memory_space<vmem_shared>> -> memref<64x128xf32, #tpu.memory_space<vmem_shared>>
      tpu.enqueue_dma source(%arg11 : memref<64x128xf32, #tpu.memory_space<vmem>>) target(%dma_start3A_34 : memref<64x128xf32, #tpu.memory_space<vmem_shared>>) target_semaphore(%run_scoped3A : memref<!tpu.dma_semaphore, #tpu.memory_space<semaphore_mem>>)
      %dma_wait3A = arith.constant 0 : i32
      %dma_wait3A_35 = tpu.memref_slice %arg7[%add3A_19, %dma_wait3A] : memref<10240x128xf32, #tpu.memory_space<vmem_shared>> -> memref<64x128xf32, #tpu.memory_space<vmem_shared>>
      %dma_wait3A_36 = arith.constant 0 : i32
      %dma_wait3A_37 = tpu.memref_slice %arg7[%add3A_19, %dma_wait3A_36] : memref<10240x128xf32, #tpu.memory_space<vmem_shared>> -> memref<64x128xf32, #tpu.memory_space<vmem_shared>>
      tpu.wait_dma2 semaphore(%run_scoped3A : memref<!tpu.dma_semaphore, #tpu.memory_space<semaphore_mem>>) src(%arg11 : memref<64x128xf32, #tpu.memory_space<vmem>>) dst(%dma_wait3A_37 : memref<64x128xf32, #tpu.memory_space<vmem_shared>>)
      tpu.yield
    }) : () -> ()
    %add3A_20 = arith.constant 512 : i32
    %add3A_21 = arith.addi %mul3A_4, %add3A_20 : i32
    "tpu.region"() ({
      %run_scoped3A = tpu.sem_alloc : memref<!tpu.dma_semaphore, #tpu.memory_space<semaphore_mem>>
      %dma_start3A = arith.constant 0 : i32
      %dma_start3A_32 = tpu.memref_slice %arg7[%add3A_21, %dma_start3A] : memref<10240x128xf32, #tpu.memory_space<vmem_shared>> -> memref<64x128xf32, #tpu.memory_space<vmem_shared>>
      %dma_start3A_33 = arith.constant 0 : i32
      %dma_start3A_34 = tpu.memref_slice %arg7[%add3A_21, %dma_start3A_33] : memref<10240x128xf32, #tpu.memory_space<vmem_shared>> -> memref<64x128xf32, #tpu.memory_space<vmem_shared>>
      tpu.enqueue_dma source(%arg11 : memref<64x128xf32, #tpu.memory_space<vmem>>) target(%dma_start3A_34 : memref<64x128xf32, #tpu.memory_space<vmem_shared>>) target_semaphore(%run_scoped3A : memref<!tpu.dma_semaphore, #tpu.memory_space<semaphore_mem>>)
      %dma_wait3A = arith.constant 0 : i32
      %dma_wait3A_35 = tpu.memref_slice %arg7[%add3A_21, %dma_wait3A] : memref<10240x128xf32, #tpu.memory_space<vmem_shared>> -> memref<64x128xf32, #tpu.memory_space<vmem_shared>>
      %dma_wait3A_36 = arith.constant 0 : i32
      %dma_wait3A_37 = tpu.memref_slice %arg7[%add3A_21, %dma_wait3A_36] : memref<10240x128xf32, #tpu.memory_space<vmem_shared>> -> memref<64x128xf32, #tpu.memory_space<vmem_shared>>
      tpu.wait_dma2 semaphore(%run_scoped3A : memref<!tpu.dma_semaphore, #tpu.memory_space<semaphore_mem>>) src(%arg11 : memref<64x128xf32, #tpu.memory_space<vmem>>) dst(%dma_wait3A_37 : memref<64x128xf32, #tpu.memory_space<vmem_shared>>)
      tpu.yield
    }) : () -> ()
    %add3A_22 = arith.constant 576 : i32
    %add3A_23 = arith.addi %mul3A_4, %add3A_22 : i32
    "tpu.region"() ({
      %run_scoped3A = tpu.sem_alloc : memref<!tpu.dma_semaphore, #tpu.memory_space<semaphore_mem>>
      %dma_start3A = arith.constant 0 : i32
      %dma_start3A_32 = tpu.memref_slice %arg7[%add3A_23, %dma_start3A] : memref<10240x128xf32, #tpu.memory_space<vmem_shared>> -> memref<64x128xf32, #tpu.memory_space<vmem_shared>>
      %dma_start3A_33 = arith.constant 0 : i32
      %dma_start3A_34 = tpu.memref_slice %arg7[%add3A_23, %dma_start3A_33] : memref<10240x128xf32, #tpu.memory_space<vmem_shared>> -> memref<64x128xf32, #tpu.memory_space<vmem_shared>>
      tpu.enqueue_dma source(%arg11 : memref<64x128xf32, #tpu.memory_space<vmem>>) target(%dma_start3A_34 : memref<64x128xf32, #tpu.memory_space<vmem_shared>>) target_semaphore(%run_scoped3A : memref<!tpu.dma_semaphore, #tpu.memory_space<semaphore_mem>>)
      %dma_wait3A = arith.constant 0 : i32
      %dma_wait3A_35 = tpu.memref_slice %arg7[%add3A_23, %dma_wait3A] : memref<10240x128xf32, #tpu.memory_space<vmem_shared>> -> memref<64x128xf32, #tpu.memory_space<vmem_shared>>
      %dma_wait3A_36 = arith.constant 0 : i32
      %dma_wait3A_37 = tpu.memref_slice %arg7[%add3A_23, %dma_wait3A_36] : memref<10240x128xf32, #tpu.memory_space<vmem_shared>> -> memref<64x128xf32, #tpu.memory_space<vmem_shared>>
      tpu.wait_dma2 semaphore(%run_scoped3A : memref<!tpu.dma_semaphore, #tpu.memory_space<semaphore_mem>>) src(%arg11 : memref<64x128xf32, #tpu.memory_space<vmem>>) dst(%dma_wait3A_37 : memref<64x128xf32, #tpu.memory_space<vmem_shared>>)
      tpu.yield
    }) : () -> ()
    %barrier3A = arith.constant 0 : index
    tpu.barrier barrier_id(%barrier3A)
    %eq3A = arith.constant 0 : i32
    %eq3A_24 = arith.cmpi eq, %arg0, %eq3A : i32
    %convert_element_type3A = arith.extui %eq3A_24 : i1 to i32
    %cond3A = arith.constant 0 : i32
    %cond3A_25 = arith.cmpi ne, %convert_element_type3A, %cond3A : i32
    scf.if %cond3A_25 {
      %mul3A_32 = arith.constant 256 : i32
      %mul3A_33 = arith.muli %arg1, %mul3A_32 : i32
      %scan3A_34 = arith.constant 0 : i32
      %scan3A_35 = arith.constant 8 : i32
      %scan3A_36 = arith.addi %scan3A_34, %scan3A_35 : i32
      %scan3A_37 = arith.constant 1 : i32
      scf.for %scan3A_39 = %scan3A_34 to %scan3A_36 step %scan3A_37  : i32 {
        %mul3A_40 = arith.constant 1 : i32
        %mul3A_41 = arith.muli %scan3A_39, %mul3A_40 : i32
        %add3A_42 = arith.constant 0 : i32
        %add3A_43 = arith.addi %add3A_42, %mul3A_41 : i32
        %mul3A_44 = arith.constant 32 : i32
        %mul3A_45 = arith.muli %add3A_43, %mul3A_44 : i32
        %add3A_46 = arith.addi %mul3A_33, %mul3A_45 : i32
        %multiple_of3A = tpu.assume_multiple %add3A_46, 8 : i32
        "tpu.region"() ({
          %run_scoped3A = tpu.sem_alloc : memref<!tpu.dma_semaphore, #tpu.memory_space<semaphore_mem>>
          %dma_start3A_79 = arith.constant 0 : i32
          %dma_start3A_80 = tpu.memref_slice %arg3[%multiple_of3A, %dma_start3A_79] : memref<5120x64xi32, #tpu.memory_space<hbm>> -> memref<32x64xi32, #tpu.memory_space<hbm>>
          %dma_start3A_81 = arith.constant 0 : i32
          %dma_start3A_82 = tpu.memref_slice %arg3[%multiple_of3A, %dma_start3A_81] : memref<5120x64xi32, #tpu.memory_space<hbm>> -> memref<32x64xi32, #tpu.memory_space<hbm>>
          tpu.enqueue_dma source(%dma_start3A_82 : memref<32x64xi32, #tpu.memory_space<hbm>>) target(%arg8 : memref<32x64xi32, #tpu.memory_space<vmem>>) target_semaphore(%run_scoped3A : memref<!tpu.dma_semaphore, #tpu.memory_space<semaphore_mem>>)
          %dma_wait3A = arith.constant 0 : i32
          %dma_wait3A_83 = tpu.memref_slice %arg3[%multiple_of3A, %dma_wait3A] : memref<5120x64xi32, #tpu.memory_space<hbm>> -> memref<32x64xi32, #tpu.memory_space<hbm>>
          %dma_wait3A_84 = arith.constant 0 : i32
          %dma_wait3A_85 = tpu.memref_slice %arg3[%multiple_of3A, %dma_wait3A_84] : memref<5120x64xi32, #tpu.memory_space<hbm>> -> memref<32x64xi32, #tpu.memory_space<hbm>>
          tpu.wait_dma2 semaphore(%run_scoped3A : memref<!tpu.dma_semaphore, #tpu.memory_space<semaphore_mem>>) src(%dma_wait3A_85 : memref<32x64xi32, #tpu.memory_space<hbm>>) dst(%arg8 : memref<32x64xi32, #tpu.memory_space<vmem>>)
          tpu.yield
        }) : () -> ()
        "tpu.region"() ({
          %run_scoped3A = tpu.sem_alloc : memref<!tpu.dma_semaphore, #tpu.memory_space<semaphore_mem>>
          %dma_start3A_79 = arith.constant 0 : i32
          %dma_start3A_80 = tpu.memref_slice %arg4[%multiple_of3A, %dma_start3A_79] : memref<5120x64xi32, #tpu.memory_space<hbm>> -> memref<32x64xi32, #tpu.memory_space<hbm>>
          %dma_start3A_81 = arith.constant 0 : i32
          %dma_start3A_82 = tpu.memref_slice %arg4[%multiple_of3A, %dma_start3A_81] : memref<5120x64xi32, #tpu.memory_space<hbm>> -> memref<32x64xi32, #tpu.memory_space<hbm>>
          tpu.enqueue_dma source(%dma_start3A_82 : memref<32x64xi32, #tpu.memory_space<hbm>>) target(%arg9 : memref<32x64xi32, #tpu.memory_space<vmem>>) target_semaphore(%run_scoped3A : memref<!tpu.dma_semaphore, #tpu.memory_space<semaphore_mem>>)
          %dma_wait3A = arith.constant 0 : i32
          %dma_wait3A_83 = tpu.memref_slice %arg4[%multiple_of3A, %dma_wait3A] : memref<5120x64xi32, #tpu.memory_space<hbm>> -> memref<32x64xi32, #tpu.memory_space<hbm>>
          %dma_wait3A_84 = arith.constant 0 : i32
          %dma_wait3A_85 = tpu.memref_slice %arg4[%multiple_of3A, %dma_wait3A_84] : memref<5120x64xi32, #tpu.memory_space<hbm>> -> memref<32x64xi32, #tpu.memory_space<hbm>>
          tpu.wait_dma2 semaphore(%run_scoped3A : memref<!tpu.dma_semaphore, #tpu.memory_space<semaphore_mem>>) src(%dma_wait3A_85 : memref<32x64xi32, #tpu.memory_space<hbm>>) dst(%arg9 : memref<32x64xi32, #tpu.memory_space<vmem>>)
          tpu.yield
        }) : () -> ()
        "tpu.region"() ({
          %run_scoped3A = tpu.sem_alloc : memref<!tpu.dma_semaphore, #tpu.memory_space<semaphore_mem>>
          %dma_start3A_79 = arith.constant 0 : i32
          %dma_start3A_80 = tpu.memref_slice %arg5[%multiple_of3A, %dma_start3A_79] : memref<5120x64xf32, #tpu.memory_space<hbm>> -> memref<32x64xf32, #tpu.memory_space<hbm>>
          %dma_start3A_81 = arith.constant 0 : i32
          %dma_start3A_82 = tpu.memref_slice %arg5[%multiple_of3A, %dma_start3A_81] : memref<5120x64xf32, #tpu.memory_space<hbm>> -> memref<32x64xf32, #tpu.memory_space<hbm>>
          tpu.enqueue_dma source(%dma_start3A_82 : memref<32x64xf32, #tpu.memory_space<hbm>>) target(%arg10 : memref<32x64xf32, #tpu.memory_space<vmem>>) target_semaphore(%run_scoped3A : memref<!tpu.dma_semaphore, #tpu.memory_space<semaphore_mem>>)
          %dma_wait3A = arith.constant 0 : i32
          %dma_wait3A_83 = tpu.memref_slice %arg5[%multiple_of3A, %dma_wait3A] : memref<5120x64xf32, #tpu.memory_space<hbm>> -> memref<32x64xf32, #tpu.memory_space<hbm>>
          %dma_wait3A_84 = arith.constant 0 : i32
          %dma_wait3A_85 = tpu.memref_slice %arg5[%multiple_of3A, %dma_wait3A_84] : memref<5120x64xf32, #tpu.memory_space<hbm>> -> memref<32x64xf32, #tpu.memory_space<hbm>>
          tpu.wait_dma2 semaphore(%run_scoped3A : memref<!tpu.dma_semaphore, #tpu.memory_space<semaphore_mem>>) src(%dma_wait3A_85 : memref<32x64xf32, #tpu.memory_space<hbm>>) dst(%arg10 : memref<32x64xf32, #tpu.memory_space<vmem>>)
          tpu.yield
        }) : () -> ()
        %dma_start3A = arith.constant 0 : i32
        %dma_start3A_47 = arith.constant 0 : i32
        %dma_start3A_48 = tpu.memref_slice %arg8[%dma_start3A, %dma_start3A_47] : memref<32x64xi32, #tpu.memory_space<vmem>> -> memref<1x64xi32, #tpu.memory_space<vmem>>
        %dma_start3A_49 = tpu.memref_squeeze %dma_start3A_48 : memref<1x64xi32, #tpu.memory_space<vmem>> -> memref<64xi32, #tpu.memory_space<vmem>>
        %dma_start3A_50 = arith.constant 0 : i32
        %dma_start3A_51 = arith.constant 0 : i32
        %dma_start3A_52 = tpu.memref_slice %arg2[%dma_start3A_50, %dma_start3A_51] : memref<10000x128xf32, #tpu.memory_space<hbm>> -> memref<10000x128xf32, #tpu.memory_space<hbm>>
        tpu.enqueue_indirect_dma source(%dma_start3A_52 : memref<10000x128xf32, #tpu.memory_space<hbm>>) target(%arg11 : memref<64x128xf32, #tpu.memory_space<vmem>>) offsets(%dma_start3A_49 : memref<64xi32, #tpu.memory_space<vmem>>) semaphore(%arg15 : memref<!tpu.dma_semaphore, #tpu.memory_space<semaphore_mem>>)
        %dma_start3A_53 = arith.constant 1 : i32
        %dma_start3A_54 = arith.constant 0 : i32
        %dma_start3A_55 = tpu.memref_slice %arg8[%dma_start3A_53, %dma_start3A_54] : memref<32x64xi32, #tpu.memory_space<vmem>> -> memref<1x64xi32, #tpu.memory_space<vmem>>
        %dma_start3A_56 = tpu.memref_squeeze %dma_start3A_55 : memref<1x64xi32, #tpu.memory_space<vmem>> -> memref<64xi32, #tpu.memory_space<vmem>>
        %dma_start3A_57 = arith.constant 0 : i32
        %dma_start3A_58 = arith.constant 0 : i32
        %dma_start3A_59 = tpu.memref_slice %arg2[%dma_start3A_57, %dma_start3A_58] : memref<10000x128xf32, #tpu.memory_space<hbm>> -> memref<10000x128xf32, #tpu.memory_space<hbm>>
        tpu.enqueue_indirect_dma source(%dma_start3A_59 : memref<10000x128xf32, #tpu.memory_space<hbm>>) target(%arg12 : memref<64x128xf32, #tpu.memory_space<vmem>>) offsets(%dma_start3A_56 : memref<64xi32, #tpu.memory_space<vmem>>) semaphore(%arg16 : memref<!tpu.dma_semaphore, #tpu.memory_space<semaphore_mem>>)
        %dma_start3A_60 = arith.constant 2 : i32
        %dma_start3A_61 = arith.constant 0 : i32
        %dma_start3A_62 = tpu.memref_slice %arg8[%dma_start3A_60, %dma_start3A_61] : memref<32x64xi32, #tpu.memory_space<vmem>> -> memref<1x64xi32, #tpu.memory_space<vmem>>
        %dma_start3A_63 = tpu.memref_squeeze %dma_start3A_62 : memref<1x64xi32, #tpu.memory_space<vmem>> -> memref<64xi32, #tpu.memory_space<vmem>>
        %dma_start3A_64 = arith.constant 0 : i32
        %dma_start3A_65 = arith.constant 0 : i32
        %dma_start3A_66 = tpu.memref_slice %arg2[%dma_start3A_64, %dma_start3A_65] : memref<10000x128xf32, #tpu.memory_space<hbm>> -> memref<10000x128xf32, #tpu.memory_space<hbm>>
        tpu.enqueue_indirect_dma source(%dma_start3A_66 : memref<10000x128xf32, #tpu.memory_space<hbm>>) target(%arg13 : memref<64x128xf32, #tpu.memory_space<vmem>>) offsets(%dma_start3A_63 : memref<64xi32, #tpu.memory_space<vmem>>) semaphore(%arg17 : memref<!tpu.dma_semaphore, #tpu.memory_space<semaphore_mem>>)
        %dma_start3A_67 = arith.constant 3 : i32
        %dma_start3A_68 = arith.constant 0 : i32
        %dma_start3A_69 = tpu.memref_slice %arg8[%dma_start3A_67, %dma_start3A_68] : memref<32x64xi32, #tpu.memory_space<vmem>> -> memref<1x64xi32, #tpu.memory_space<vmem>>
        %dma_start3A_70 = tpu.memref_squeeze %dma_start3A_69 : memref<1x64xi32, #tpu.memory_space<vmem>> -> memref<64xi32, #tpu.memory_space<vmem>>
        %dma_start3A_71 = arith.constant 0 : i32
        %dma_start3A_72 = arith.constant 0 : i32
        %dma_start3A_73 = tpu.memref_slice %arg2[%dma_start3A_71, %dma_start3A_72] : memref<10000x128xf32, #tpu.memory_space<hbm>> -> memref<10000x128xf32, #tpu.memory_space<hbm>>
        tpu.enqueue_indirect_dma source(%dma_start3A_73 : memref<10000x128xf32, #tpu.memory_space<hbm>>) target(%arg14 : memref<64x128xf32, #tpu.memory_space<vmem>>) offsets(%dma_start3A_70 : memref<64xi32, #tpu.memory_space<vmem>>) semaphore(%arg18 : memref<!tpu.dma_semaphore, #tpu.memory_space<semaphore_mem>>)
        %scan3A_74 = arith.constant 0 : i32
        %scan3A_75 = arith.constant 8 : i32
        %scan3A_76 = arith.addi %scan3A_74, %scan3A_75 : i32
        %scan3A_77 = arith.constant 1 : i32
        scf.for %scan3A_79 = %scan3A_74 to %scan3A_76 step %scan3A_77  : i32 {
          %mul3A_80 = arith.constant 4 : i32
          %mul3A_81 = arith.muli %scan3A_79, %mul3A_80 : i32
          %add3A_82 = arith.constant 0 : i32
          %add3A_83 = arith.addi %add3A_82, %mul3A_81 : i32
          %add3A_84 = arith.constant 0 : i32
          %add3A_85 = arith.addi %add3A_83, %add3A_84 : i32
          %dma_wait3A = arith.constant 0 : i32
          %dma_wait3A_86 = tpu.memref_slice %arg8[%add3A_85, %dma_wait3A] : memref<32x64xi32, #tpu.memory_space<vmem>> -> memref<1x64xi32, #tpu.memory_space<vmem>>
          %dma_wait3A_87 = tpu.memref_squeeze %dma_wait3A_86 : memref<1x64xi32, #tpu.memory_space<vmem>> -> memref<64xi32, #tpu.memory_space<vmem>>
          %dma_wait3A_88 = arith.constant 0 : i32
          %dma_wait3A_89 = arith.constant 0 : i32
          %dma_wait3A_90 = tpu.memref_slice %arg2[%dma_wait3A_88, %dma_wait3A_89] : memref<10000x128xf32, #tpu.memory_space<hbm>> -> memref<10000x128xf32, #tpu.memory_space<hbm>>
          tpu.wait_indirect_dma semaphore(%arg15 : memref<!tpu.dma_semaphore, #tpu.memory_space<semaphore_mem>>) src(%dma_wait3A_90 : memref<10000x128xf32, #tpu.memory_space<hbm>>) dst(%arg11 : memref<64x128xf32, #tpu.memory_space<vmem>>)
          %scan3A_91 = arith.constant 0 : i32
          %scan3A_92 = arith.constant 64 : i32
          %scan3A_93 = arith.addi %scan3A_91, %scan3A_92 : i32
          %scan3A_94 = arith.constant 1 : i32
          scf.for %scan3A_162 = %scan3A_91 to %scan3A_93 step %scan3A_94  : i32 {
            %mul3A_163 = arith.constant 1 : i32
            %mul3A_164 = arith.muli %scan3A_162, %mul3A_163 : i32
            %add3A_165 = arith.constant 0 : i32
            %add3A_166 = arith.addi %add3A_165, %mul3A_164 : i32
            %broadcast_in_dim3A = vector.broadcast %add3A_166 : i32 to vector<16xi32>
            %gather3A = arith.constant 0 : i32
            %gather3A_167 = tpu.memref_slice %arg10[%add3A_85, %gather3A] : memref<32x64xf32, #tpu.memory_space<vmem>> -> memref<1x64xf32, #tpu.memory_space<vmem>>
            %gather3A_168 = tpu.memref_squeeze %gather3A_167 : memref<1x64xf32, #tpu.memory_space<vmem>> -> memref<64xf32, #tpu.memory_space<vmem>>
            %gather3A_169 = tpu.vector_load_idx %gather3A_168[%broadcast_in_dim3A] : memref<64xf32, #tpu.memory_space<vmem>>[vector<16xi32>], vector<16xf32>,
            %get3A = arith.index_cast %add3A_166 : i32 to index
            %get3A_170 = arith.constant 0 : index
            %get3A_171 = tpu.vector_load %arg11[%get3A, %get3A_170] {strides = array<i32>} : memref<64x128xf32, #tpu.memory_space<vmem>>, vector<16xf32>,
            %mul3A_172 = arith.mulf %get3A_171, %gather3A_169 : vector<16xf32>
            %swap3A = arith.index_cast %add3A_166 : i32 to index
            %swap3A_173 = arith.constant 0 : index
            %swap3A_174 = tpu.vector_load %arg11[%swap3A, %swap3A_173] {strides = array<i32>} : memref<64x128xf32, #tpu.memory_space<vmem>>, vector<16xf32>,
            tpu.vector_store %arg11[%swap3A, %swap3A_173], %mul3A_172 {strides = array<i32>} : memref<64x128xf32, #tpu.memory_space<vmem>>, vector<16xf32>,
            %get3A_175 = arith.index_cast %add3A_166 : i32 to index
            %get3A_176 = arith.constant 16 : index
            %get3A_177 = tpu.vector_load %arg11[%get3A_175, %get3A_176] {strides = array<i32>} : memref<64x128xf32, #tpu.memory_space<vmem>>, vector<16xf32>,
            %mul3A_178 = arith.mulf %get3A_177, %gather3A_169 : vector<16xf32>
            %swap3A_179 = arith.index_cast %add3A_166 : i32 to index
            %swap3A_180 = arith.constant 16 : index
            %swap3A_181 = tpu.vector_load %arg11[%swap3A_179, %swap3A_180] {strides = array<i32>} : memref<64x128xf32, #tpu.memory_space<vmem>>, vector<16xf32>,
            tpu.vector_store %arg11[%swap3A_179, %swap3A_180], %mul3A_178 {strides = array<i32>} : memref<64x128xf32, #tpu.memory_space<vmem>>, vector<16xf32>,
            %get3A_182 = arith.index_cast %add3A_166 : i32 to index
            %get3A_183 = arith.constant 32 : index
            %get3A_184 = tpu.vector_load %arg11[%get3A_182, %get3A_183] {strides = array<i32>} : memref<64x128xf32, #tpu.memory_space<vmem>>, vector<16xf32>,
            %mul3A_185 = arith.mulf %get3A_184, %gather3A_169 : vector<16xf32>
            %swap3A_186 = arith.index_cast %add3A_166 : i32 to index
            %swap3A_187 = arith.constant 32 : index
            %swap3A_188 = tpu.vector_load %arg11[%swap3A_186, %swap3A_187] {strides = array<i32>} : memref<64x128xf32, #tpu.memory_space<vmem>>, vector<16xf32>,
            tpu.vector_store %arg11[%swap3A_186, %swap3A_187], %mul3A_185 {strides = array<i32>} : memref<64x128xf32, #tpu.memory_space<vmem>>, vector<16xf32>,
            %get3A_189 = arith.index_cast %add3A_166 : i32 to index
            %get3A_190 = arith.constant 48 : index
            %get3A_191 = tpu.vector_load %arg11[%get3A_189, %get3A_190] {strides = array<i32>} : memref<64x128xf32, #tpu.memory_space<vmem>>, vector<16xf32>,
            %mul3A_192 = arith.mulf %get3A_191, %gather3A_169 : vector<16xf32>
            %swap3A_193 = arith.index_cast %add3A_166 : i32 to index
            %swap3A_194 = arith.constant 48 : index
            %swap3A_195 = tpu.vector_load %arg11[%swap3A_193, %swap3A_194] {strides = array<i32>} : memref<64x128xf32, #tpu.memory_space<vmem>>, vector<16xf32>,
            tpu.vector_store %arg11[%swap3A_193, %swap3A_194], %mul3A_192 {strides = array<i32>} : memref<64x128xf32, #tpu.memory_space<vmem>>, vector<16xf32>,
            %get3A_196 = arith.index_cast %add3A_166 : i32 to index
            %get3A_197 = arith.constant 64 : index
            %get3A_198 = tpu.vector_load %arg11[%get3A_196, %get3A_197] {strides = array<i32>} : memref<64x128xf32, #tpu.memory_space<vmem>>, vector<16xf32>,
            %mul3A_199 = arith.mulf %get3A_198, %gather3A_169 : vector<16xf32>
            %swap3A_200 = arith.index_cast %add3A_166 : i32 to index
            %swap3A_201 = arith.constant 64 : index
            %swap3A_202 = tpu.vector_load %arg11[%swap3A_200, %swap3A_201] {strides = array<i32>} : memref<64x128xf32, #tpu.memory_space<vmem>>, vector<16xf32>,
            tpu.vector_store %arg11[%swap3A_200, %swap3A_201], %mul3A_199 {strides = array<i32>} : memref<64x128xf32, #tpu.memory_space<vmem>>, vector<16xf32>,
            %get3A_203 = arith.index_cast %add3A_166 : i32 to index
            %get3A_204 = arith.constant 80 : index
            %get3A_205 = tpu.vector_load %arg11[%get3A_203, %get3A_204] {strides = array<i32>} : memref<64x128xf32, #tpu.memory_space<vmem>>, vector<16xf32>,
            %mul3A_206 = arith.mulf %get3A_205, %gather3A_169 : vector<16xf32>
            %swap3A_207 = arith.index_cast %add3A_166 : i32 to index
            %swap3A_208 = arith.constant 80 : index
            %swap3A_209 = tpu.vector_load %arg11[%swap3A_207, %swap3A_208] {strides = array<i32>} : memref<64x128xf32, #tpu.memory_space<vmem>>, vector<16xf32>,
            tpu.vector_store %arg11[%swap3A_207, %swap3A_208], %mul3A_206 {strides = array<i32>} : memref<64x128xf32, #tpu.memory_space<vmem>>, vector<16xf32>,
            %get3A_210 = arith.index_cast %add3A_166 : i32 to index
            %get3A_211 = arith.constant 96 : index
            %get3A_212 = tpu.vector_load %arg11[%get3A_210, %get3A_211] {strides = array<i32>} : memref<64x128xf32, #tpu.memory_space<vmem>>, vector<16xf32>,
            %mul3A_213 = arith.mulf %get3A_212, %gather3A_169 : vector<16xf32>
            %swap3A_214 = arith.index_cast %add3A_166 : i32 to index
            %swap3A_215 = arith.constant 96 : index
            %swap3A_216 = tpu.vector_load %arg11[%swap3A_214, %swap3A_215] {strides = array<i32>} : memref<64x128xf32, #tpu.memory_space<vmem>>, vector<16xf32>,
            tpu.vector_store %arg11[%swap3A_214, %swap3A_215], %mul3A_213 {strides = array<i32>} : memref<64x128xf32, #tpu.memory_space<vmem>>, vector<16xf32>,
            %get3A_217 = arith.index_cast %add3A_166 : i32 to index
            %get3A_218 = arith.constant 112 : index
            %get3A_219 = tpu.vector_load %arg11[%get3A_217, %get3A_218] {strides = array<i32>} : memref<64x128xf32, #tpu.memory_space<vmem>>, vector<16xf32>,
            %mul3A_220 = arith.mulf %get3A_219, %gather3A_169 : vector<16xf32>
            %swap3A_221 = arith.index_cast %add3A_166 : i32 to index
            %swap3A_222 = arith.constant 112 : index
            %swap3A_223 = tpu.vector_load %arg11[%swap3A_221, %swap3A_222] {strides = array<i32>} : memref<64x128xf32, #tpu.memory_space<vmem>>, vector<16xf32>,
            tpu.vector_store %arg11[%swap3A_221, %swap3A_222], %mul3A_220 {strides = array<i32>} : memref<64x128xf32, #tpu.memory_space<vmem>>, vector<16xf32>,
          }
          %scan3A_95 = arith.constant 64 : i32
          "tpu.region"() ({
            %run_scoped3A = tpu.sem_alloc : memref<!tpu.dma_semaphore, #tpu.memory_space<semaphore_mem>>
            %dma_start3A_162 = arith.constant 0 : i32
            %dma_start3A_163 = tpu.memref_slice %arg9[%add3A_85, %dma_start3A_162] : memref<32x64xi32, #tpu.memory_space<vmem>> -> memref<1x64xi32, #tpu.memory_space<vmem>>
            %dma_start3A_164 = tpu.memref_squeeze %dma_start3A_163 : memref<1x64xi32, #tpu.memory_space<vmem>> -> memref<64xi32, #tpu.memory_space<vmem>>
            %dma_start3A_165 = arith.constant 0 : i32
            %dma_start3A_166 = arith.constant 0 : i32
            %dma_start3A_167 = tpu.memref_slice %arg7[%dma_start3A_165, %dma_start3A_166] : memref<10240x128xf32, #tpu.memory_space<vmem_shared>> -> memref<10240x128xf32, #tpu.memory_space<vmem_shared>>
            tpu.enqueue_indirect_dma source(%arg11 : memref<64x128xf32, #tpu.memory_space<vmem>>) target(%dma_start3A_167 : memref<10240x128xf32, #tpu.memory_space<vmem_shared>>) offsets(%dma_start3A_164 : memref<64xi32, #tpu.memory_space<vmem>>) semaphore(%run_scoped3A : memref<!tpu.dma_semaphore, #tpu.memory_space<semaphore_mem>>) {add = true}
            %dma_wait3A_168 = arith.constant 0 : i32
            %dma_wait3A_169 = tpu.memref_slice %arg9[%add3A_85, %dma_wait3A_168] : memref<32x64xi32, #tpu.memory_space<vmem>> -> memref<1x64xi32, #tpu.memory_space<vmem>>
            %dma_wait3A_170 = tpu.memref_squeeze %dma_wait3A_169 : memref<1x64xi32, #tpu.memory_space<vmem>> -> memref<64xi32, #tpu.memory_space<vmem>>
            %dma_wait3A_171 = arith.constant 0 : i32
            %dma_wait3A_172 = arith.constant 0 : i32
            %dma_wait3A_173 = tpu.memref_slice %arg7[%dma_wait3A_171, %dma_wait3A_172] : memref<10240x128xf32, #tpu.memory_space<vmem_shared>> -> memref<10240x128xf32, #tpu.memory_space<vmem_shared>>
            tpu.wait_indirect_dma semaphore(%run_scoped3A : memref<!tpu.dma_semaphore, #tpu.memory_space<semaphore_mem>>) src(%arg11 : memref<64x128xf32, #tpu.memory_space<vmem>>) dst(%dma_wait3A_173 : memref<10240x128xf32, #tpu.memory_space<vmem_shared>>)
            tpu.yield
          }) : () -> ()
          %add3A_96 = arith.constant 4 : i32
          %add3A_97 = arith.addi %add3A_85, %add3A_96 : i32
          %lt3A = arith.constant 32 : i32
          %lt3A_98 = arith.cmpi slt, %add3A_97, %lt3A : i32
          %convert_element_type3A_99 = arith.extui %lt3A_98 : i1 to i32
          %cond3A_100 = arith.constant 0 : i32
          %cond3A_101 = arith.cmpi ne, %convert_element_type3A_99, %cond3A_100 : i32
          scf.if %cond3A_101 {
            %add3A_162 = arith.constant 4 : i32
            %add3A_163 = arith.addi %add3A_85, %add3A_162 : i32
            %dma_start3A_164 = arith.constant 0 : i32
            %dma_start3A_165 = tpu.memref_slice %arg8[%add3A_163, %dma_start3A_164] : memref<32x64xi32, #tpu.memory_space<vmem>> -> memref<1x64xi32, #tpu.memory_space<vmem>>
            %dma_start3A_166 = tpu.memref_squeeze %dma_start3A_165 : memref<1x64xi32, #tpu.memory_space<vmem>> -> memref<64xi32, #tpu.memory_space<vmem>>
            %dma_start3A_167 = arith.constant 0 : i32
            %dma_start3A_168 = arith.constant 0 : i32
            %dma_start3A_169 = tpu.memref_slice %arg2[%dma_start3A_167, %dma_start3A_168] : memref<10000x128xf32, #tpu.memory_space<hbm>> -> memref<10000x128xf32, #tpu.memory_space<hbm>>
            tpu.enqueue_indirect_dma source(%dma_start3A_169 : memref<10000x128xf32, #tpu.memory_space<hbm>>) target(%arg11 : memref<64x128xf32, #tpu.memory_space<vmem>>) offsets(%dma_start3A_166 : memref<64xi32, #tpu.memory_space<vmem>>) semaphore(%arg15 : memref<!tpu.dma_semaphore, #tpu.memory_space<semaphore_mem>>)
          } else {
          }
          %add3A_102 = arith.constant 1 : i32
          %add3A_103 = arith.addi %add3A_83, %add3A_102 : i32
          %dma_wait3A_104 = arith.constant 0 : i32
          %dma_wait3A_105 = tpu.memref_slice %arg8[%add3A_103, %dma_wait3A_104] : memref<32x64xi32, #tpu.memory_space<vmem>> -> memref<1x64xi32, #tpu.memory_space<vmem>>
          %dma_wait3A_106 = tpu.memref_squeeze %dma_wait3A_105 : memref<1x64xi32, #tpu.memory_space<vmem>> -> memref<64xi32, #tpu.memory_space<vmem>>
          %dma_wait3A_107 = arith.constant 0 : i32
          %dma_wait3A_108 = arith.constant 0 : i32
          %dma_wait3A_109 = tpu.memref_slice %arg2[%dma_wait3A_107, %dma_wait3A_108] : memref<10000x128xf32, #tpu.memory_space<hbm>> -> memref<10000x128xf32, #tpu.memory_space<hbm>>
          tpu.wait_indirect_dma semaphore(%arg16 : memref<!tpu.dma_semaphore, #tpu.memory_space<semaphore_mem>>) src(%dma_wait3A_109 : memref<10000x128xf32, #tpu.memory_space<hbm>>) dst(%arg12 : memref<64x128xf32, #tpu.memory_space<vmem>>)
          %scan3A_110 = arith.constant 0 : i32
          %scan3A_111 = arith.constant 64 : i32
          %scan3A_112 = arith.addi %scan3A_110, %scan3A_111 : i32
          %scan3A_113 = arith.constant 1 : i32
          scf.for %scan3A_162 = %scan3A_110 to %scan3A_112 step %scan3A_113  : i32 {
            %mul3A_163 = arith.constant 1 : i32
            %mul3A_164 = arith.muli %scan3A_162, %mul3A_163 : i32
            %add3A_165 = arith.constant 0 : i32
            %add3A_166 = arith.addi %add3A_165, %mul3A_164 : i32
            %broadcast_in_dim3A = vector.broadcast %add3A_166 : i32 to vector<16xi32>
            %gather3A = arith.constant 0 : i32
            %gather3A_167 = tpu.memref_slice %arg10[%add3A_103, %gather3A] : memref<32x64xf32, #tpu.memory_space<vmem>> -> memref<1x64xf32, #tpu.memory_space<vmem>>
            %gather3A_168 = tpu.memref_squeeze %gather3A_167 : memref<1x64xf32, #tpu.memory_space<vmem>> -> memref<64xf32, #tpu.memory_space<vmem>>
            %gather3A_169 = tpu.vector_load_idx %gather3A_168[%broadcast_in_dim3A] : memref<64xf32, #tpu.memory_space<vmem>>[vector<16xi32>], vector<16xf32>,
            %get3A = arith.index_cast %add3A_166 : i32 to index
            %get3A_170 = arith.constant 0 : index
            %get3A_171 = tpu.vector_load %arg12[%get3A, %get3A_170] {strides = array<i32>} : memref<64x128xf32, #tpu.memory_space<vmem>>, vector<16xf32>,
            %mul3A_172 = arith.mulf %get3A_171, %gather3A_169 : vector<16xf32>
            %swap3A = arith.index_cast %add3A_166 : i32 to index
            %swap3A_173 = arith.constant 0 : index
            %swap3A_174 = tpu.vector_load %arg12[%swap3A, %swap3A_173] {strides = array<i32>} : memref<64x128xf32, #tpu.memory_space<vmem>>, vector<16xf32>,
            tpu.vector_store %arg12[%swap3A, %swap3A_173], %mul3A_172 {strides = array<i32>} : memref<64x128xf32, #tpu.memory_space<vmem>>, vector<16xf32>,
            %get3A_175 = arith.index_cast %add3A_166 : i32 to index
            %get3A_176 = arith.constant 16 : index
            %get3A_177 = tpu.vector_load %arg12[%get3A_175, %get3A_176] {strides = array<i32>} : memref<64x128xf32, #tpu.memory_space<vmem>>, vector<16xf32>,
            %mul3A_178 = arith.mulf %get3A_177, %gather3A_169 : vector<16xf32>
            %swap3A_179 = arith.index_cast %add3A_166 : i32 to index
            %swap3A_180 = arith.constant 16 : index
            %swap3A_181 = tpu.vector_load %arg12[%swap3A_179, %swap3A_180] {strides = array<i32>} : memref<64x128xf32, #tpu.memory_space<vmem>>, vector<16xf32>,
            tpu.vector_store %arg12[%swap3A_179, %swap3A_180], %mul3A_178 {strides = array<i32>} : memref<64x128xf32, #tpu.memory_space<vmem>>, vector<16xf32>,
            %get3A_182 = arith.index_cast %add3A_166 : i32 to index
            %get3A_183 = arith.constant 32 : index
            %get3A_184 = tpu.vector_load %arg12[%get3A_182, %get3A_183] {strides = array<i32>} : memref<64x128xf32, #tpu.memory_space<vmem>>, vector<16xf32>,
            %mul3A_185 = arith.mulf %get3A_184, %gather3A_169 : vector<16xf32>
            %swap3A_186 = arith.index_cast %add3A_166 : i32 to index
            %swap3A_187 = arith.constant 32 : index
            %swap3A_188 = tpu.vector_load %arg12[%swap3A_186, %swap3A_187] {strides = array<i32>} : memref<64x128xf32, #tpu.memory_space<vmem>>, vector<16xf32>,
            tpu.vector_store %arg12[%swap3A_186, %swap3A_187], %mul3A_185 {strides = array<i32>} : memref<64x128xf32, #tpu.memory_space<vmem>>, vector<16xf32>,
            %get3A_189 = arith.index_cast %add3A_166 : i32 to index
            %get3A_190 = arith.constant 48 : index
            %get3A_191 = tpu.vector_load %arg12[%get3A_189, %get3A_190] {strides = array<i32>} : memref<64x128xf32, #tpu.memory_space<vmem>>, vector<16xf32>,
            %mul3A_192 = arith.mulf %get3A_191, %gather3A_169 : vector<16xf32>
            %swap3A_193 = arith.index_cast %add3A_166 : i32 to index
            %swap3A_194 = arith.constant 48 : index
            %swap3A_195 = tpu.vector_load %arg12[%swap3A_193, %swap3A_194] {strides = array<i32>} : memref<64x128xf32, #tpu.memory_space<vmem>>, vector<16xf32>,
            tpu.vector_store %arg12[%swap3A_193, %swap3A_194], %mul3A_192 {strides = array<i32>} : memref<64x128xf32, #tpu.memory_space<vmem>>, vector<16xf32>,
            %get3A_196 = arith.index_cast %add3A_166 : i32 to index
            %get3A_197 = arith.constant 64 : index
            %get3A_198 = tpu.vector_load %arg12[%get3A_196, %get3A_197] {strides = array<i32>} : memref<64x128xf32, #tpu.memory_space<vmem>>, vector<16xf32>,
            %mul3A_199 = arith.mulf %get3A_198, %gather3A_169 : vector<16xf32>
            %swap3A_200 = arith.index_cast %add3A_166 : i32 to index
            %swap3A_201 = arith.constant 64 : index
            %swap3A_202 = tpu.vector_load %arg12[%swap3A_200, %swap3A_201] {strides = array<i32>} : memref<64x128xf32, #tpu.memory_space<vmem>>, vector<16xf32>,
            tpu.vector_store %arg12[%swap3A_200, %swap3A_201], %mul3A_199 {strides = array<i32>} : memref<64x128xf32, #tpu.memory_space<vmem>>, vector<16xf32>,
            %get3A_203 = arith.index_cast %add3A_166 : i32 to index
            %get3A_204 = arith.constant 80 : index
            %get3A_205 = tpu.vector_load %arg12[%get3A_203, %get3A_204] {strides = array<i32>} : memref<64x128xf32, #tpu.memory_space<vmem>>, vector<16xf32>,
            %mul3A_206 = arith.mulf %get3A_205, %gather3A_169 : vector<16xf32>
            %swap3A_207 = arith.index_cast %add3A_166 : i32 to index
            %swap3A_208 = arith.constant 80 : index
            %swap3A_209 = tpu.vector_load %arg12[%swap3A_207, %swap3A_208] {strides = array<i32>} : memref<64x128xf32, #tpu.memory_space<vmem>>, vector<16xf32>,
            tpu.vector_store %arg12[%swap3A_207, %swap3A_208], %mul3A_206 {strides = array<i32>} : memref<64x128xf32, #tpu.memory_space<vmem>>, vector<16xf32>,
            %get3A_210 = arith.index_cast %add3A_166 : i32 to index
            %get3A_211 = arith.constant 96 : index
            %get3A_212 = tpu.vector_load %arg12[%get3A_210, %get3A_211] {strides = array<i32>} : memref<64x128xf32, #tpu.memory_space<vmem>>, vector<16xf32>,
            %mul3A_213 = arith.mulf %get3A_212, %gather3A_169 : vector<16xf32>
            %swap3A_214 = arith.index_cast %add3A_166 : i32 to index
            %swap3A_215 = arith.constant 96 : index
            %swap3A_216 = tpu.vector_load %arg12[%swap3A_214, %swap3A_215] {strides = array<i32>} : memref<64x128xf32, #tpu.memory_space<vmem>>, vector<16xf32>,
            tpu.vector_store %arg12[%swap3A_214, %swap3A_215], %mul3A_213 {strides = array<i32>} : memref<64x128xf32, #tpu.memory_space<vmem>>, vector<16xf32>,
            %get3A_217 = arith.index_cast %add3A_166 : i32 to index
            %get3A_218 = arith.constant 112 : index
            %get3A_219 = tpu.vector_load %arg12[%get3A_217, %get3A_218] {strides = array<i32>} : memref<64x128xf32, #tpu.memory_space<vmem>>, vector<16xf32>,
            %mul3A_220 = arith.mulf %get3A_219, %gather3A_169 : vector<16xf32>
            %swap3A_221 = arith.index_cast %add3A_166 : i32 to index
            %swap3A_222 = arith.constant 112 : index
            %swap3A_223 = tpu.vector_load %arg12[%swap3A_221, %swap3A_222] {strides = array<i32>} : memref<64x128xf32, #tpu.memory_space<vmem>>, vector<16xf32>,
            tpu.vector_store %arg12[%swap3A_221, %swap3A_222], %mul3A_220 {strides = array<i32>} : memref<64x128xf32, #tpu.memory_space<vmem>>, vector<16xf32>,
          }
          %scan3A_114 = arith.constant 64 : i32
          "tpu.region"() ({
            %run_scoped3A = tpu.sem_alloc : memref<!tpu.dma_semaphore, #tpu.memory_space<semaphore_mem>>
            %dma_start3A_162 = arith.constant 0 : i32
            %dma_start3A_163 = tpu.memref_slice %arg9[%add3A_103, %dma_start3A_162] : memref<32x64xi32, #tpu.memory_space<vmem>> -> memref<1x64xi32, #tpu.memory_space<vmem>>
            %dma_start3A_164 = tpu.memref_squeeze %dma_start3A_163 : memref<1x64xi32, #tpu.memory_space<vmem>> -> memref<64xi32, #tpu.memory_space<vmem>>
            %dma_start3A_165 = arith.constant 0 : i32
            %dma_start3A_166 = arith.constant 0 : i32
            %dma_start3A_167 = tpu.memref_slice %arg7[%dma_start3A_165, %dma_start3A_166] : memref<10240x128xf32, #tpu.memory_space<vmem_shared>> -> memref<10240x128xf32, #tpu.memory_space<vmem_shared>>
            tpu.enqueue_indirect_dma source(%arg12 : memref<64x128xf32, #tpu.memory_space<vmem>>) target(%dma_start3A_167 : memref<10240x128xf32, #tpu.memory_space<vmem_shared>>) offsets(%dma_start3A_164 : memref<64xi32, #tpu.memory_space<vmem>>) semaphore(%run_scoped3A : memref<!tpu.dma_semaphore, #tpu.memory_space<semaphore_mem>>) {add = true}
            %dma_wait3A_168 = arith.constant 0 : i32
            %dma_wait3A_169 = tpu.memref_slice %arg9[%add3A_103, %dma_wait3A_168] : memref<32x64xi32, #tpu.memory_space<vmem>> -> memref<1x64xi32, #tpu.memory_space<vmem>>
            %dma_wait3A_170 = tpu.memref_squeeze %dma_wait3A_169 : memref<1x64xi32, #tpu.memory_space<vmem>> -> memref<64xi32, #tpu.memory_space<vmem>>
            %dma_wait3A_171 = arith.constant 0 : i32
            %dma_wait3A_172 = arith.constant 0 : i32
            %dma_wait3A_173 = tpu.memref_slice %arg7[%dma_wait3A_171, %dma_wait3A_172] : memref<10240x128xf32, #tpu.memory_space<vmem_shared>> -> memref<10240x128xf32, #tpu.memory_space<vmem_shared>>
            tpu.wait_indirect_dma semaphore(%run_scoped3A : memref<!tpu.dma_semaphore, #tpu.memory_space<semaphore_mem>>) src(%arg12 : memref<64x128xf32, #tpu.memory_space<vmem>>) dst(%dma_wait3A_173 : memref<10240x128xf32, #tpu.memory_space<vmem_shared>>)
            tpu.yield
          }) : () -> ()
          %add3A_115 = arith.constant 4 : i32
          %add3A_116 = arith.addi %add3A_103, %add3A_115 : i32
          %lt3A_117 = arith.constant 32 : i32
          %lt3A_118 = arith.cmpi slt, %add3A_116, %lt3A_117 : i32
          %convert_element_type3A_119 = arith.extui %lt3A_118 : i1 to i32
          %cond3A_120 = arith.constant 0 : i32
          %cond3A_121 = arith.cmpi ne, %convert_element_type3A_119, %cond3A_120 : i32
          scf.if %cond3A_121 {
            %add3A_162 = arith.constant 4 : i32
            %add3A_163 = arith.addi %add3A_103, %add3A_162 : i32
            %dma_start3A_164 = arith.constant 0 : i32
            %dma_start3A_165 = tpu.memref_slice %arg8[%add3A_163, %dma_start3A_164] : memref<32x64xi32, #tpu.memory_space<vmem>> -> memref<1x64xi32, #tpu.memory_space<vmem>>
            %dma_start3A_166 = tpu.memref_squeeze %dma_start3A_165 : memref<1x64xi32, #tpu.memory_space<vmem>> -> memref<64xi32, #tpu.memory_space<vmem>>
            %dma_start3A_167 = arith.constant 0 : i32
            %dma_start3A_168 = arith.constant 0 : i32
            %dma_start3A_169 = tpu.memref_slice %arg2[%dma_start3A_167, %dma_start3A_168] : memref<10000x128xf32, #tpu.memory_space<hbm>> -> memref<10000x128xf32, #tpu.memory_space<hbm>>
            tpu.enqueue_indirect_dma source(%dma_start3A_169 : memref<10000x128xf32, #tpu.memory_space<hbm>>) target(%arg12 : memref<64x128xf32, #tpu.memory_space<vmem>>) offsets(%dma_start3A_166 : memref<64xi32, #tpu.memory_space<vmem>>) semaphore(%arg16 : memref<!tpu.dma_semaphore, #tpu.memory_space<semaphore_mem>>)
          } else {
          }
          %add3A_122 = arith.constant 2 : i32
          %add3A_123 = arith.addi %add3A_83, %add3A_122 : i32
          %dma_wait3A_124 = arith.constant 0 : i32
          %dma_wait3A_125 = tpu.memref_slice %arg8[%add3A_123, %dma_wait3A_124] : memref<32x64xi32, #tpu.memory_space<vmem>> -> memref<1x64xi32, #tpu.memory_space<vmem>>
          %dma_wait3A_126 = tpu.memref_squeeze %dma_wait3A_125 : memref<1x64xi32, #tpu.memory_space<vmem>> -> memref<64xi32, #tpu.memory_space<vmem>>
          %dma_wait3A_127 = arith.constant 0 : i32
          %dma_wait3A_128 = arith.constant 0 : i32
          %dma_wait3A_129 = tpu.memref_slice %arg2[%dma_wait3A_127, %dma_wait3A_128] : memref<10000x128xf32, #tpu.memory_space<hbm>> -> memref<10000x128xf32, #tpu.memory_space<hbm>>
          tpu.wait_indirect_dma semaphore(%arg17 : memref<!tpu.dma_semaphore, #tpu.memory_space<semaphore_mem>>) src(%dma_wait3A_129 : memref<10000x128xf32, #tpu.memory_space<hbm>>) dst(%arg13 : memref<64x128xf32, #tpu.memory_space<vmem>>)
          %scan3A_130 = arith.constant 0 : i32
          %scan3A_131 = arith.constant 64 : i32
          %scan3A_132 = arith.addi %scan3A_130, %scan3A_131 : i32
          %scan3A_133 = arith.constant 1 : i32
          scf.for %scan3A_162 = %scan3A_130 to %scan3A_132 step %scan3A_133  : i32 {
            %mul3A_163 = arith.constant 1 : i32
            %mul3A_164 = arith.muli %scan3A_162, %mul3A_163 : i32
            %add3A_165 = arith.constant 0 : i32
            %add3A_166 = arith.addi %add3A_165, %mul3A_164 : i32
            %broadcast_in_dim3A = vector.broadcast %add3A_166 : i32 to vector<16xi32>
            %gather3A = arith.constant 0 : i32
            %gather3A_167 = tpu.memref_slice %arg10[%add3A_123, %gather3A] : memref<32x64xf32, #tpu.memory_space<vmem>> -> memref<1x64xf32, #tpu.memory_space<vmem>>
            %gather3A_168 = tpu.memref_squeeze %gather3A_167 : memref<1x64xf32, #tpu.memory_space<vmem>> -> memref<64xf32, #tpu.memory_space<vmem>>
            %gather3A_169 = tpu.vector_load_idx %gather3A_168[%broadcast_in_dim3A] : memref<64xf32, #tpu.memory_space<vmem>>[vector<16xi32>], vector<16xf32>,
            %get3A = arith.index_cast %add3A_166 : i32 to index
            %get3A_170 = arith.constant 0 : index
            %get3A_171 = tpu.vector_load %arg13[%get3A, %get3A_170] {strides = array<i32>} : memref<64x128xf32, #tpu.memory_space<vmem>>, vector<16xf32>,
            %mul3A_172 = arith.mulf %get3A_171, %gather3A_169 : vector<16xf32>
            %swap3A = arith.index_cast %add3A_166 : i32 to index
            %swap3A_173 = arith.constant 0 : index
            %swap3A_174 = tpu.vector_load %arg13[%swap3A, %swap3A_173] {strides = array<i32>} : memref<64x128xf32, #tpu.memory_space<vmem>>, vector<16xf32>,
            tpu.vector_store %arg13[%swap3A, %swap3A_173], %mul3A_172 {strides = array<i32>} : memref<64x128xf32, #tpu.memory_space<vmem>>, vector<16xf32>,
            %get3A_175 = arith.index_cast %add3A_166 : i32 to index
            %get3A_176 = arith.constant 16 : index
            %get3A_177 = tpu.vector_load %arg13[%get3A_175, %get3A_176] {strides = array<i32>} : memref<64x128xf32, #tpu.memory_space<vmem>>, vector<16xf32>,
            %mul3A_178 = arith.mulf %get3A_177, %gather3A_169 : vector<16xf32>
            %swap3A_179 = arith.index_cast %add3A_166 : i32 to index
            %swap3A_180 = arith.constant 16 : index
            %swap3A_181 = tpu.vector_load %arg13[%swap3A_179, %swap3A_180] {strides = array<i32>} : memref<64x128xf32, #tpu.memory_space<vmem>>, vector<16xf32>,
            tpu.vector_store %arg13[%swap3A_179, %swap3A_180], %mul3A_178 {strides = array<i32>} : memref<64x128xf32, #tpu.memory_space<vmem>>, vector<16xf32>,
            %get3A_182 = arith.index_cast %add3A_166 : i32 to index
            %get3A_183 = arith.constant 32 : index
            %get3A_184 = tpu.vector_load %arg13[%get3A_182, %get3A_183] {strides = array<i32>} : memref<64x128xf32, #tpu.memory_space<vmem>>, vector<16xf32>,
            %mul3A_185 = arith.mulf %get3A_184, %gather3A_169 : vector<16xf32>
            %swap3A_186 = arith.index_cast %add3A_166 : i32 to index
            %swap3A_187 = arith.constant 32 : index
            %swap3A_188 = tpu.vector_load %arg13[%swap3A_186, %swap3A_187] {strides = array<i32>} : memref<64x128xf32, #tpu.memory_space<vmem>>, vector<16xf32>,
            tpu.vector_store %arg13[%swap3A_186, %swap3A_187], %mul3A_185 {strides = array<i32>} : memref<64x128xf32, #tpu.memory_space<vmem>>, vector<16xf32>,
            %get3A_189 = arith.index_cast %add3A_166 : i32 to index
            %get3A_190 = arith.constant 48 : index
            %get3A_191 = tpu.vector_load %arg13[%get3A_189, %get3A_190] {strides = array<i32>} : memref<64x128xf32, #tpu.memory_space<vmem>>, vector<16xf32>,
            %mul3A_192 = arith.mulf %get3A_191, %gather3A_169 : vector<16xf32>
            %swap3A_193 = arith.index_cast %add3A_166 : i32 to index
            %swap3A_194 = arith.constant 48 : index
            %swap3A_195 = tpu.vector_load %arg13[%swap3A_193, %swap3A_194] {strides = array<i32>} : memref<64x128xf32, #tpu.memory_space<vmem>>, vector<16xf32>,
            tpu.vector_store %arg13[%swap3A_193, %swap3A_194], %mul3A_192 {strides = array<i32>} : memref<64x128xf32, #tpu.memory_space<vmem>>, vector<16xf32>,
            %get3A_196 = arith.index_cast %add3A_166 : i32 to index
            %get3A_197 = arith.constant 64 : index
            %get3A_198 = tpu.vector_load %arg13[%get3A_196, %get3A_197] {strides = array<i32>} : memref<64x128xf32, #tpu.memory_space<vmem>>, vector<16xf32>,
            %mul3A_199 = arith.mulf %get3A_198, %gather3A_169 : vector<16xf32>
            %swap3A_200 = arith.index_cast %add3A_166 : i32 to index
            %swap3A_201 = arith.constant 64 : index
            %swap3A_202 = tpu.vector_load %arg13[%swap3A_200, %swap3A_201] {strides = array<i32>} : memref<64x128xf32, #tpu.memory_space<vmem>>, vector<16xf32>,
            tpu.vector_store %arg13[%swap3A_200, %swap3A_201], %mul3A_199 {strides = array<i32>} : memref<64x128xf32, #tpu.memory_space<vmem>>, vector<16xf32>,
            %get3A_203 = arith.index_cast %add3A_166 : i32 to index
            %get3A_204 = arith.constant 80 : index
            %get3A_205 = tpu.vector_load %arg13[%get3A_203, %get3A_204] {strides = array<i32>} : memref<64x128xf32, #tpu.memory_space<vmem>>, vector<16xf32>,
            %mul3A_206 = arith.mulf %get3A_205, %gather3A_169 : vector<16xf32>
            %swap3A_207 = arith.index_cast %add3A_166 : i32 to index
            %swap3A_208 = arith.constant 80 : index
            %swap3A_209 = tpu.vector_load %arg13[%swap3A_207, %swap3A_208] {strides = array<i32>} : memref<64x128xf32, #tpu.memory_space<vmem>>, vector<16xf32>,
            tpu.vector_store %arg13[%swap3A_207, %swap3A_208], %mul3A_206 {strides = array<i32>} : memref<64x128xf32, #tpu.memory_space<vmem>>, vector<16xf32>,
            %get3A_210 = arith.index_cast %add3A_166 : i32 to index
            %get3A_211 = arith.constant 96 : index
            %get3A_212 = tpu.vector_load %arg13[%get3A_210, %get3A_211] {strides = array<i32>} : memref<64x128xf32, #tpu.memory_space<vmem>>, vector<16xf32>,
            %mul3A_213 = arith.mulf %get3A_212, %gather3A_169 : vector<16xf32>
            %swap3A_214 = arith.index_cast %add3A_166 : i32 to index
            %swap3A_215 = arith.constant 96 : index
            %swap3A_216 = tpu.vector_load %arg13[%swap3A_214, %swap3A_215] {strides = array<i32>} : memref<64x128xf32, #tpu.memory_space<vmem>>, vector<16xf32>,
            tpu.vector_store %arg13[%swap3A_214, %swap3A_215], %mul3A_213 {strides = array<i32>} : memref<64x128xf32, #tpu.memory_space<vmem>>, vector<16xf32>,
            %get3A_217 = arith.index_cast %add3A_166 : i32 to index
            %get3A_218 = arith.constant 112 : index
            %get3A_219 = tpu.vector_load %arg13[%get3A_217, %get3A_218] {strides = array<i32>} : memref<64x128xf32, #tpu.memory_space<vmem>>, vector<16xf32>,
            %mul3A_220 = arith.mulf %get3A_219, %gather3A_169 : vector<16xf32>
            %swap3A_221 = arith.index_cast %add3A_166 : i32 to index
            %swap3A_222 = arith.constant 112 : index
            %swap3A_223 = tpu.vector_load %arg13[%swap3A_221, %swap3A_222] {strides = array<i32>} : memref<64x128xf32, #tpu.memory_space<vmem>>, vector<16xf32>,
            tpu.vector_store %arg13[%swap3A_221, %swap3A_222], %mul3A_220 {strides = array<i32>} : memref<64x128xf32, #tpu.memory_space<vmem>>, vector<16xf32>,
          }
          %scan3A_134 = arith.constant 64 : i32
          "tpu.region"() ({
            %run_scoped3A = tpu.sem_alloc : memref<!tpu.dma_semaphore, #tpu.memory_space<semaphore_mem>>
            %dma_start3A_162 = arith.constant 0 : i32
            %dma_start3A_163 = tpu.memref_slice %arg9[%add3A_123, %dma_start3A_162] : memref<32x64xi32, #tpu.memory_space<vmem>> -> memref<1x64xi32, #tpu.memory_space<vmem>>
            %dma_start3A_164 = tpu.memref_squeeze %dma_start3A_163 : memref<1x64xi32, #tpu.memory_space<vmem>> -> memref<64xi32, #tpu.memory_space<vmem>>
            %dma_start3A_165 = arith.constant 0 : i32
            %dma_start3A_166 = arith.constant 0 : i32
            %dma_start3A_167 = tpu.memref_slice %arg7[%dma_start3A_165, %dma_start3A_166] : memref<10240x128xf32, #tpu.memory_space<vmem_shared>> -> memref<10240x128xf32, #tpu.memory_space<vmem_shared>>
            tpu.enqueue_indirect_dma source(%arg13 : memref<64x128xf32, #tpu.memory_space<vmem>>) target(%dma_start3A_167 : memref<10240x128xf32, #tpu.memory_space<vmem_shared>>) offsets(%dma_start3A_164 : memref<64xi32, #tpu.memory_space<vmem>>) semaphore(%run_scoped3A : memref<!tpu.dma_semaphore, #tpu.memory_space<semaphore_mem>>) {add = true}
            %dma_wait3A_168 = arith.constant 0 : i32
            %dma_wait3A_169 = tpu.memref_slice %arg9[%add3A_123, %dma_wait3A_168] : memref<32x64xi32, #tpu.memory_space<vmem>> -> memref<1x64xi32, #tpu.memory_space<vmem>>
            %dma_wait3A_170 = tpu.memref_squeeze %dma_wait3A_169 : memref<1x64xi32, #tpu.memory_space<vmem>> -> memref<64xi32, #tpu.memory_space<vmem>>
            %dma_wait3A_171 = arith.constant 0 : i32
            %dma_wait3A_172 = arith.constant 0 : i32
            %dma_wait3A_173 = tpu.memref_slice %arg7[%dma_wait3A_171, %dma_wait3A_172] : memref<10240x128xf32, #tpu.memory_space<vmem_shared>> -> memref<10240x128xf32, #tpu.memory_space<vmem_shared>>
            tpu.wait_indirect_dma semaphore(%run_scoped3A : memref<!tpu.dma_semaphore, #tpu.memory_space<semaphore_mem>>) src(%arg13 : memref<64x128xf32, #tpu.memory_space<vmem>>) dst(%dma_wait3A_173 : memref<10240x128xf32, #tpu.memory_space<vmem_shared>>)
            tpu.yield
          }) : () -> ()
          %add3A_135 = arith.constant 4 : i32
          %add3A_136 = arith.addi %add3A_123, %add3A_135 : i32
          %lt3A_137 = arith.constant 32 : i32
          %lt3A_138 = arith.cmpi slt, %add3A_136, %lt3A_137 : i32
          %convert_element_type3A_139 = arith.extui %lt3A_138 : i1 to i32
          %cond3A_140 = arith.constant 0 : i32
          %cond3A_141 = arith.cmpi ne, %convert_element_type3A_139, %cond3A_140 : i32
          scf.if %cond3A_141 {
            %add3A_162 = arith.constant 4 : i32
            %add3A_163 = arith.addi %add3A_123, %add3A_162 : i32
            %dma_start3A_164 = arith.constant 0 : i32
            %dma_start3A_165 = tpu.memref_slice %arg8[%add3A_163, %dma_start3A_164] : memref<32x64xi32, #tpu.memory_space<vmem>> -> memref<1x64xi32, #tpu.memory_space<vmem>>
            %dma_start3A_166 = tpu.memref_squeeze %dma_start3A_165 : memref<1x64xi32, #tpu.memory_space<vmem>> -> memref<64xi32, #tpu.memory_space<vmem>>
            %dma_start3A_167 = arith.constant 0 : i32
            %dma_start3A_168 = arith.constant 0 : i32
            %dma_start3A_169 = tpu.memref_slice %arg2[%dma_start3A_167, %dma_start3A_168] : memref<10000x128xf32, #tpu.memory_space<hbm>> -> memref<10000x128xf32, #tpu.memory_space<hbm>>
            tpu.enqueue_indirect_dma source(%dma_start3A_169 : memref<10000x128xf32, #tpu.memory_space<hbm>>) target(%arg13 : memref<64x128xf32, #tpu.memory_space<vmem>>) offsets(%dma_start3A_166 : memref<64xi32, #tpu.memory_space<vmem>>) semaphore(%arg17 : memref<!tpu.dma_semaphore, #tpu.memory_space<semaphore_mem>>)
          } else {
          }
          %add3A_142 = arith.constant 3 : i32
          %add3A_143 = arith.addi %add3A_83, %add3A_142 : i32
          %dma_wait3A_144 = arith.constant 0 : i32
          %dma_wait3A_145 = tpu.memref_slice %arg8[%add3A_143, %dma_wait3A_144] : memref<32x64xi32, #tpu.memory_space<vmem>> -> memref<1x64xi32, #tpu.memory_space<vmem>>
          %dma_wait3A_146 = tpu.memref_squeeze %dma_wait3A_145 : memref<1x64xi32, #tpu.memory_space<vmem>> -> memref<64xi32, #tpu.memory_space<vmem>>
          %dma_wait3A_147 = arith.constant 0 : i32
          %dma_wait3A_148 = arith.constant 0 : i32
          %dma_wait3A_149 = tpu.memref_slice %arg2[%dma_wait3A_147, %dma_wait3A_148] : memref<10000x128xf32, #tpu.memory_space<hbm>> -> memref<10000x128xf32, #tpu.memory_space<hbm>>
          tpu.wait_indirect_dma semaphore(%arg18 : memref<!tpu.dma_semaphore, #tpu.memory_space<semaphore_mem>>) src(%dma_wait3A_149 : memref<10000x128xf32, #tpu.memory_space<hbm>>) dst(%arg14 : memref<64x128xf32, #tpu.memory_space<vmem>>)
          %scan3A_150 = arith.constant 0 : i32
          %scan3A_151 = arith.constant 64 : i32
          %scan3A_152 = arith.addi %scan3A_150, %scan3A_151 : i32
          %scan3A_153 = arith.constant 1 : i32
          scf.for %scan3A_162 = %scan3A_150 to %scan3A_152 step %scan3A_153  : i32 {
            %mul3A_163 = arith.constant 1 : i32
            %mul3A_164 = arith.muli %scan3A_162, %mul3A_163 : i32
            %add3A_165 = arith.constant 0 : i32
            %add3A_166 = arith.addi %add3A_165, %mul3A_164 : i32
            %broadcast_in_dim3A = vector.broadcast %add3A_166 : i32 to vector<16xi32>
            %gather3A = arith.constant 0 : i32
            %gather3A_167 = tpu.memref_slice %arg10[%add3A_143, %gather3A] : memref<32x64xf32, #tpu.memory_space<vmem>> -> memref<1x64xf32, #tpu.memory_space<vmem>>
            %gather3A_168 = tpu.memref_squeeze %gather3A_167 : memref<1x64xf32, #tpu.memory_space<vmem>> -> memref<64xf32, #tpu.memory_space<vmem>>
            %gather3A_169 = tpu.vector_load_idx %gather3A_168[%broadcast_in_dim3A] : memref<64xf32, #tpu.memory_space<vmem>>[vector<16xi32>], vector<16xf32>,
            %get3A = arith.index_cast %add3A_166 : i32 to index
            %get3A_170 = arith.constant 0 : index
            %get3A_171 = tpu.vector_load %arg14[%get3A, %get3A_170] {strides = array<i32>} : memref<64x128xf32, #tpu.memory_space<vmem>>, vector<16xf32>,
            %mul3A_172 = arith.mulf %get3A_171, %gather3A_169 : vector<16xf32>
            %swap3A = arith.index_cast %add3A_166 : i32 to index
            %swap3A_173 = arith.constant 0 : index
            %swap3A_174 = tpu.vector_load %arg14[%swap3A, %swap3A_173] {strides = array<i32>} : memref<64x128xf32, #tpu.memory_space<vmem>>, vector<16xf32>,
            tpu.vector_store %arg14[%swap3A, %swap3A_173], %mul3A_172 {strides = array<i32>} : memref<64x128xf32, #tpu.memory_space<vmem>>, vector<16xf32>,
            %get3A_175 = arith.index_cast %add3A_166 : i32 to index
            %get3A_176 = arith.constant 16 : index
            %get3A_177 = tpu.vector_load %arg14[%get3A_175, %get3A_176] {strides = array<i32>} : memref<64x128xf32, #tpu.memory_space<vmem>>, vector<16xf32>,
            %mul3A_178 = arith.mulf %get3A_177, %gather3A_169 : vector<16xf32>
            %swap3A_179 = arith.index_cast %add3A_166 : i32 to index
            %swap3A_180 = arith.constant 16 : index
            %swap3A_181 = tpu.vector_load %arg14[%swap3A_179, %swap3A_180] {strides = array<i32>} : memref<64x128xf32, #tpu.memory_space<vmem>>, vector<16xf32>,
            tpu.vector_store %arg14[%swap3A_179, %swap3A_180], %mul3A_178 {strides = array<i32>} : memref<64x128xf32, #tpu.memory_space<vmem>>, vector<16xf32>,
            %get3A_182 = arith.index_cast %add3A_166 : i32 to index
            %get3A_183 = arith.constant 32 : index
            %get3A_184 = tpu.vector_load %arg14[%get3A_182, %get3A_183] {strides = array<i32>} : memref<64x128xf32, #tpu.memory_space<vmem>>, vector<16xf32>,
            %mul3A_185 = arith.mulf %get3A_184, %gather3A_169 : vector<16xf32>
            %swap3A_186 = arith.index_cast %add3A_166 : i32 to index
            %swap3A_187 = arith.constant 32 : index
            %swap3A_188 = tpu.vector_load %arg14[%swap3A_186, %swap3A_187] {strides = array<i32>} : memref<64x128xf32, #tpu.memory_space<vmem>>, vector<16xf32>,
            tpu.vector_store %arg14[%swap3A_186, %swap3A_187], %mul3A_185 {strides = array<i32>} : memref<64x128xf32, #tpu.memory_space<vmem>>, vector<16xf32>,
            %get3A_189 = arith.index_cast %add3A_166 : i32 to index
            %get3A_190 = arith.constant 48 : index
            %get3A_191 = tpu.vector_load %arg14[%get3A_189, %get3A_190] {strides = array<i32>} : memref<64x128xf32, #tpu.memory_space<vmem>>, vector<16xf32>,
            %mul3A_192 = arith.mulf %get3A_191, %gather3A_169 : vector<16xf32>
            %swap3A_193 = arith.index_cast %add3A_166 : i32 to index
            %swap3A_194 = arith.constant 48 : index
            %swap3A_195 = tpu.vector_load %arg14[%swap3A_193, %swap3A_194] {strides = array<i32>} : memref<64x128xf32, #tpu.memory_space<vmem>>, vector<16xf32>,
            tpu.vector_store %arg14[%swap3A_193, %swap3A_194], %mul3A_192 {strides = array<i32>} : memref<64x128xf32, #tpu.memory_space<vmem>>, vector<16xf32>,
            %get3A_196 = arith.index_cast %add3A_166 : i32 to index
            %get3A_197 = arith.constant 64 : index
            %get3A_198 = tpu.vector_load %arg14[%get3A_196, %get3A_197] {strides = array<i32>} : memref<64x128xf32, #tpu.memory_space<vmem>>, vector<16xf32>,
            %mul3A_199 = arith.mulf %get3A_198, %gather3A_169 : vector<16xf32>
            %swap3A_200 = arith.index_cast %add3A_166 : i32 to index
            %swap3A_201 = arith.constant 64 : index
            %swap3A_202 = tpu.vector_load %arg14[%swap3A_200, %swap3A_201] {strides = array<i32>} : memref<64x128xf32, #tpu.memory_space<vmem>>, vector<16xf32>,
            tpu.vector_store %arg14[%swap3A_200, %swap3A_201], %mul3A_199 {strides = array<i32>} : memref<64x128xf32, #tpu.memory_space<vmem>>, vector<16xf32>,
            %get3A_203 = arith.index_cast %add3A_166 : i32 to index
            %get3A_204 = arith.constant 80 : index
            %get3A_205 = tpu.vector_load %arg14[%get3A_203, %get3A_204] {strides = array<i32>} : memref<64x128xf32, #tpu.memory_space<vmem>>, vector<16xf32>,
            %mul3A_206 = arith.mulf %get3A_205, %gather3A_169 : vector<16xf32>
            %swap3A_207 = arith.index_cast %add3A_166 : i32 to index
            %swap3A_208 = arith.constant 80 : index
            %swap3A_209 = tpu.vector_load %arg14[%swap3A_207, %swap3A_208] {strides = array<i32>} : memref<64x128xf32, #tpu.memory_space<vmem>>, vector<16xf32>,
            tpu.vector_store %arg14[%swap3A_207, %swap3A_208], %mul3A_206 {strides = array<i32>} : memref<64x128xf32, #tpu.memory_space<vmem>>, vector<16xf32>,
            %get3A_210 = arith.index_cast %add3A_166 : i32 to index
            %get3A_211 = arith.constant 96 : index
            %get3A_212 = tpu.vector_load %arg14[%get3A_210, %get3A_211] {strides = array<i32>} : memref<64x128xf32, #tpu.memory_space<vmem>>, vector<16xf32>,
            %mul3A_213 = arith.mulf %get3A_212, %gather3A_169 : vector<16xf32>
            %swap3A_214 = arith.index_cast %add3A_166 : i32 to index
            %swap3A_215 = arith.constant 96 : index
            %swap3A_216 = tpu.vector_load %arg14[%swap3A_214, %swap3A_215] {strides = array<i32>} : memref<64x128xf32, #tpu.memory_space<vmem>>, vector<16xf32>,
            tpu.vector_store %arg14[%swap3A_214, %swap3A_215], %mul3A_213 {strides = array<i32>} : memref<64x128xf32, #tpu.memory_space<vmem>>, vector<16xf32>,
            %get3A_217 = arith.index_cast %add3A_166 : i32 to index
            %get3A_218 = arith.constant 112 : index
            %get3A_219 = tpu.vector_load %arg14[%get3A_217, %get3A_218] {strides = array<i32>} : memref<64x128xf32, #tpu.memory_space<vmem>>, vector<16xf32>,
            %mul3A_220 = arith.mulf %get3A_219, %gather3A_169 : vector<16xf32>
            %swap3A_221 = arith.index_cast %add3A_166 : i32 to index
            %swap3A_222 = arith.constant 112 : index
            %swap3A_223 = tpu.vector_load %arg14[%swap3A_221, %swap3A_222] {strides = array<i32>} : memref<64x128xf32, #tpu.memory_space<vmem>>, vector<16xf32>,
            tpu.vector_store %arg14[%swap3A_221, %swap3A_222], %mul3A_220 {strides = array<i32>} : memref<64x128xf32, #tpu.memory_space<vmem>>, vector<16xf32>,
          }
          %scan3A_154 = arith.constant 64 : i32
          "tpu.region"() ({
            %run_scoped3A = tpu.sem_alloc : memref<!tpu.dma_semaphore, #tpu.memory_space<semaphore_mem>>
            %dma_start3A_162 = arith.constant 0 : i32
            %dma_start3A_163 = tpu.memref_slice %arg9[%add3A_143, %dma_start3A_162] : memref<32x64xi32, #tpu.memory_space<vmem>> -> memref<1x64xi32, #tpu.memory_space<vmem>>
            %dma_start3A_164 = tpu.memref_squeeze %dma_start3A_163 : memref<1x64xi32, #tpu.memory_space<vmem>> -> memref<64xi32, #tpu.memory_space<vmem>>
            %dma_start3A_165 = arith.constant 0 : i32
            %dma_start3A_166 = arith.constant 0 : i32
            %dma_start3A_167 = tpu.memref_slice %arg7[%dma_start3A_165, %dma_start3A_166] : memref<10240x128xf32, #tpu.memory_space<vmem_shared>> -> memref<10240x128xf32, #tpu.memory_space<vmem_shared>>
            tpu.enqueue_indirect_dma source(%arg14 : memref<64x128xf32, #tpu.memory_space<vmem>>) target(%dma_start3A_167 : memref<10240x128xf32, #tpu.memory_space<vmem_shared>>) offsets(%dma_start3A_164 : memref<64xi32, #tpu.memory_space<vmem>>) semaphore(%run_scoped3A : memref<!tpu.dma_semaphore, #tpu.memory_space<semaphore_mem>>) {add = true}
            %dma_wait3A_168 = arith.constant 0 : i32
            %dma_wait3A_169 = tpu.memref_slice %arg9[%add3A_143, %dma_wait3A_168] : memref<32x64xi32, #tpu.memory_space<vmem>> -> memref<1x64xi32, #tpu.memory_space<vmem>>
            %dma_wait3A_170 = tpu.memref_squeeze %dma_wait3A_169 : memref<1x64xi32, #tpu.memory_space<vmem>> -> memref<64xi32, #tpu.memory_space<vmem>>
            %dma_wait3A_171 = arith.constant 0 : i32
            %dma_wait3A_172 = arith.constant 0 : i32
            %dma_wait3A_173 = tpu.memref_slice %arg7[%dma_wait3A_171, %dma_wait3A_172] : memref<10240x128xf32, #tpu.memory_space<vmem_shared>> -> memref<10240x128xf32, #tpu.memory_space<vmem_shared>>
            tpu.wait_indirect_dma semaphore(%run_scoped3A : memref<!tpu.dma_semaphore, #tpu.memory_space<semaphore_mem>>) src(%arg14 : memref<64x128xf32, #tpu.memory_space<vmem>>) dst(%dma_wait3A_173 : memref<10240x128xf32, #tpu.memory_space<vmem_shared>>)
            tpu.yield
          }) : () -> ()
          %add3A_155 = arith.constant 4 : i32
          %add3A_156 = arith.addi %add3A_143, %add3A_155 : i32
          %lt3A_157 = arith.constant 32 : i32
          %lt3A_158 = arith.cmpi slt, %add3A_156, %lt3A_157 : i32
          %convert_element_type3A_159 = arith.extui %lt3A_158 : i1 to i32
          %cond3A_160 = arith.constant 0 : i32
          %cond3A_161 = arith.cmpi ne, %convert_element_type3A_159, %cond3A_160 : i32
          scf.if %cond3A_161 {
            %add3A_162 = arith.constant 4 : i32
            %add3A_163 = arith.addi %add3A_143, %add3A_162 : i32
            %dma_start3A_164 = arith.constant 0 : i32
            %dma_start3A_165 = tpu.memref_slice %arg8[%add3A_163, %dma_start3A_164] : memref<32x64xi32, #tpu.memory_space<vmem>> -> memref<1x64xi32, #tpu.memory_space<vmem>>
            %dma_start3A_166 = tpu.memref_squeeze %dma_start3A_165 : memref<1x64xi32, #tpu.memory_space<vmem>> -> memref<64xi32, #tpu.memory_space<vmem>>
            %dma_start3A_167 = arith.constant 0 : i32
            %dma_start3A_168 = arith.constant 0 : i32
            %dma_start3A_169 = tpu.memref_slice %arg2[%dma_start3A_167, %dma_start3A_168] : memref<10000x128xf32, #tpu.memory_space<hbm>> -> memref<10000x128xf32, #tpu.memory_space<hbm>>
            tpu.enqueue_indirect_dma source(%dma_start3A_169 : memref<10000x128xf32, #tpu.memory_space<hbm>>) target(%arg14 : memref<64x128xf32, #tpu.memory_space<vmem>>) offsets(%dma_start3A_166 : memref<64xi32, #tpu.memory_space<vmem>>) semaphore(%arg18 : memref<!tpu.dma_semaphore, #tpu.memory_space<semaphore_mem>>)
          } else {
          }
        }
        %scan3A_78 = arith.constant 8 : i32
      }
      %scan3A_38 = arith.constant 8 : i32
    } else {
    }
    %eq3A_26 = arith.constant 1 : i32
    %eq3A_27 = arith.cmpi eq, %arg0, %eq3A_26 : i32
    %convert_element_type3A_28 = arith.extui %eq3A_27 : i1 to i32
    %cond3A_29 = arith.constant 0 : i32
    %cond3A_30 = arith.cmpi ne, %convert_element_type3A_28, %cond3A_29 : i32
    scf.if %cond3A_30 {
      %mul3A_32 = arith.constant 64 : i32
      %mul3A_33 = arith.muli %arg1, %mul3A_32 : i32
      %add3A_34 = arith.constant 4096 : i32
      %add3A_35 = arith.addi %add3A_34, %mul3A_33 : i32
      %scan3A_36 = arith.constant 0 : i32
      %scan3A_37 = arith.constant 2 : i32
      %scan3A_38 = arith.addi %scan3A_36, %scan3A_37 : i32
      %scan3A_39 = arith.constant 1 : i32
      scf.for %scan3A_41 = %scan3A_36 to %scan3A_38 step %scan3A_39  : i32 {
        %mul3A_42 = arith.constant 1 : i32
        %mul3A_43 = arith.muli %scan3A_41, %mul3A_42 : i32
        %add3A_44 = arith.constant 0 : i32
        %add3A_45 = arith.addi %add3A_44, %mul3A_43 : i32
        %mul3A_46 = arith.constant 32 : i32
        %mul3A_47 = arith.muli %add3A_45, %mul3A_46 : i32
        %add3A_48 = arith.addi %add3A_35, %mul3A_47 : i32
        %multiple_of3A = tpu.assume_multiple %add3A_48, 8 : i32
        "tpu.region"() ({
          %run_scoped3A = tpu.sem_alloc : memref<!tpu.dma_semaphore, #tpu.memory_space<semaphore_mem>>
          %dma_start3A_81 = arith.constant 0 : i32
          %dma_start3A_82 = tpu.memref_slice %arg3[%multiple_of3A, %dma_start3A_81] : memref<5120x64xi32, #tpu.memory_space<hbm>> -> memref<32x64xi32, #tpu.memory_space<hbm>>
          %dma_start3A_83 = arith.constant 0 : i32
          %dma_start3A_84 = tpu.memref_slice %arg3[%multiple_of3A, %dma_start3A_83] : memref<5120x64xi32, #tpu.memory_space<hbm>> -> memref<32x64xi32, #tpu.memory_space<hbm>>
          tpu.enqueue_dma source(%dma_start3A_84 : memref<32x64xi32, #tpu.memory_space<hbm>>) target(%arg8 : memref<32x64xi32, #tpu.memory_space<vmem>>) target_semaphore(%run_scoped3A : memref<!tpu.dma_semaphore, #tpu.memory_space<semaphore_mem>>)
          %dma_wait3A = arith.constant 0 : i32
          %dma_wait3A_85 = tpu.memref_slice %arg3[%multiple_of3A, %dma_wait3A] : memref<5120x64xi32, #tpu.memory_space<hbm>> -> memref<32x64xi32, #tpu.memory_space<hbm>>
          %dma_wait3A_86 = arith.constant 0 : i32
          %dma_wait3A_87 = tpu.memref_slice %arg3[%multiple_of3A, %dma_wait3A_86] : memref<5120x64xi32, #tpu.memory_space<hbm>> -> memref<32x64xi32, #tpu.memory_space<hbm>>
          tpu.wait_dma2 semaphore(%run_scoped3A : memref<!tpu.dma_semaphore, #tpu.memory_space<semaphore_mem>>) src(%dma_wait3A_87 : memref<32x64xi32, #tpu.memory_space<hbm>>) dst(%arg8 : memref<32x64xi32, #tpu.memory_space<vmem>>)
          tpu.yield
        }) : () -> ()
        "tpu.region"() ({
          %run_scoped3A = tpu.sem_alloc : memref<!tpu.dma_semaphore, #tpu.memory_space<semaphore_mem>>
          %dma_start3A_81 = arith.constant 0 : i32
          %dma_start3A_82 = tpu.memref_slice %arg4[%multiple_of3A, %dma_start3A_81] : memref<5120x64xi32, #tpu.memory_space<hbm>> -> memref<32x64xi32, #tpu.memory_space<hbm>>
          %dma_start3A_83 = arith.constant 0 : i32
          %dma_start3A_84 = tpu.memref_slice %arg4[%multiple_of3A, %dma_start3A_83] : memref<5120x64xi32, #tpu.memory_space<hbm>> -> memref<32x64xi32, #tpu.memory_space<hbm>>
          tpu.enqueue_dma source(%dma_start3A_84 : memref<32x64xi32, #tpu.memory_space<hbm>>) target(%arg9 : memref<32x64xi32, #tpu.memory_space<vmem>>) target_semaphore(%run_scoped3A : memref<!tpu.dma_semaphore, #tpu.memory_space<semaphore_mem>>)
          %dma_wait3A = arith.constant 0 : i32
          %dma_wait3A_85 = tpu.memref_slice %arg4[%multiple_of3A, %dma_wait3A] : memref<5120x64xi32, #tpu.memory_space<hbm>> -> memref<32x64xi32, #tpu.memory_space<hbm>>
          %dma_wait3A_86 = arith.constant 0 : i32
          %dma_wait3A_87 = tpu.memref_slice %arg4[%multiple_of3A, %dma_wait3A_86] : memref<5120x64xi32, #tpu.memory_space<hbm>> -> memref<32x64xi32, #tpu.memory_space<hbm>>
          tpu.wait_dma2 semaphore(%run_scoped3A : memref<!tpu.dma_semaphore, #tpu.memory_space<semaphore_mem>>) src(%dma_wait3A_87 : memref<32x64xi32, #tpu.memory_space<hbm>>) dst(%arg9 : memref<32x64xi32, #tpu.memory_space<vmem>>)
          tpu.yield
        }) : () -> ()
        "tpu.region"() ({
          %run_scoped3A = tpu.sem_alloc : memref<!tpu.dma_semaphore, #tpu.memory_space<semaphore_mem>>
          %dma_start3A_81 = arith.constant 0 : i32
          %dma_start3A_82 = tpu.memref_slice %arg5[%multiple_of3A, %dma_start3A_81] : memref<5120x64xf32, #tpu.memory_space<hbm>> -> memref<32x64xf32, #tpu.memory_space<hbm>>
          %dma_start3A_83 = arith.constant 0 : i32
          %dma_start3A_84 = tpu.memref_slice %arg5[%multiple_of3A, %dma_start3A_83] : memref<5120x64xf32, #tpu.memory_space<hbm>> -> memref<32x64xf32, #tpu.memory_space<hbm>>
          tpu.enqueue_dma source(%dma_start3A_84 : memref<32x64xf32, #tpu.memory_space<hbm>>) target(%arg10 : memref<32x64xf32, #tpu.memory_space<vmem>>) target_semaphore(%run_scoped3A : memref<!tpu.dma_semaphore, #tpu.memory_space<semaphore_mem>>)
          %dma_wait3A = arith.constant 0 : i32
          %dma_wait3A_85 = tpu.memref_slice %arg5[%multiple_of3A, %dma_wait3A] : memref<5120x64xf32, #tpu.memory_space<hbm>> -> memref<32x64xf32, #tpu.memory_space<hbm>>
          %dma_wait3A_86 = arith.constant 0 : i32
          %dma_wait3A_87 = tpu.memref_slice %arg5[%multiple_of3A, %dma_wait3A_86] : memref<5120x64xf32, #tpu.memory_space<hbm>> -> memref<32x64xf32, #tpu.memory_space<hbm>>
          tpu.wait_dma2 semaphore(%run_scoped3A : memref<!tpu.dma_semaphore, #tpu.memory_space<semaphore_mem>>) src(%dma_wait3A_87 : memref<32x64xf32, #tpu.memory_space<hbm>>) dst(%arg10 : memref<32x64xf32, #tpu.memory_space<vmem>>)
          tpu.yield
        }) : () -> ()
        %dma_start3A = arith.constant 0 : i32
        %dma_start3A_49 = arith.constant 0 : i32
        %dma_start3A_50 = tpu.memref_slice %arg8[%dma_start3A, %dma_start3A_49] : memref<32x64xi32, #tpu.memory_space<vmem>> -> memref<1x64xi32, #tpu.memory_space<vmem>>
        %dma_start3A_51 = tpu.memref_squeeze %dma_start3A_50 : memref<1x64xi32, #tpu.memory_space<vmem>> -> memref<64xi32, #tpu.memory_space<vmem>>
        %dma_start3A_52 = arith.constant 0 : i32
        %dma_start3A_53 = arith.constant 0 : i32
        %dma_start3A_54 = tpu.memref_slice %arg2[%dma_start3A_52, %dma_start3A_53] : memref<10000x128xf32, #tpu.memory_space<hbm>> -> memref<10000x128xf32, #tpu.memory_space<hbm>>
        tpu.enqueue_indirect_dma source(%dma_start3A_54 : memref<10000x128xf32, #tpu.memory_space<hbm>>) target(%arg11 : memref<64x128xf32, #tpu.memory_space<vmem>>) offsets(%dma_start3A_51 : memref<64xi32, #tpu.memory_space<vmem>>) semaphore(%arg15 : memref<!tpu.dma_semaphore, #tpu.memory_space<semaphore_mem>>)
        %dma_start3A_55 = arith.constant 1 : i32
        %dma_start3A_56 = arith.constant 0 : i32
        %dma_start3A_57 = tpu.memref_slice %arg8[%dma_start3A_55, %dma_start3A_56] : memref<32x64xi32, #tpu.memory_space<vmem>> -> memref<1x64xi32, #tpu.memory_space<vmem>>
        %dma_start3A_58 = tpu.memref_squeeze %dma_start3A_57 : memref<1x64xi32, #tpu.memory_space<vmem>> -> memref<64xi32, #tpu.memory_space<vmem>>
        %dma_start3A_59 = arith.constant 0 : i32
        %dma_start3A_60 = arith.constant 0 : i32
        %dma_start3A_61 = tpu.memref_slice %arg2[%dma_start3A_59, %dma_start3A_60] : memref<10000x128xf32, #tpu.memory_space<hbm>> -> memref<10000x128xf32, #tpu.memory_space<hbm>>
        tpu.enqueue_indirect_dma source(%dma_start3A_61 : memref<10000x128xf32, #tpu.memory_space<hbm>>) target(%arg12 : memref<64x128xf32, #tpu.memory_space<vmem>>) offsets(%dma_start3A_58 : memref<64xi32, #tpu.memory_space<vmem>>) semaphore(%arg16 : memref<!tpu.dma_semaphore, #tpu.memory_space<semaphore_mem>>)
        %dma_start3A_62 = arith.constant 2 : i32
        %dma_start3A_63 = arith.constant 0 : i32
        %dma_start3A_64 = tpu.memref_slice %arg8[%dma_start3A_62, %dma_start3A_63] : memref<32x64xi32, #tpu.memory_space<vmem>> -> memref<1x64xi32, #tpu.memory_space<vmem>>
        %dma_start3A_65 = tpu.memref_squeeze %dma_start3A_64 : memref<1x64xi32, #tpu.memory_space<vmem>> -> memref<64xi32, #tpu.memory_space<vmem>>
        %dma_start3A_66 = arith.constant 0 : i32
        %dma_start3A_67 = arith.constant 0 : i32
        %dma_start3A_68 = tpu.memref_slice %arg2[%dma_start3A_66, %dma_start3A_67] : memref<10000x128xf32, #tpu.memory_space<hbm>> -> memref<10000x128xf32, #tpu.memory_space<hbm>>
        tpu.enqueue_indirect_dma source(%dma_start3A_68 : memref<10000x128xf32, #tpu.memory_space<hbm>>) target(%arg13 : memref<64x128xf32, #tpu.memory_space<vmem>>) offsets(%dma_start3A_65 : memref<64xi32, #tpu.memory_space<vmem>>) semaphore(%arg17 : memref<!tpu.dma_semaphore, #tpu.memory_space<semaphore_mem>>)
        %dma_start3A_69 = arith.constant 3 : i32
        %dma_start3A_70 = arith.constant 0 : i32
        %dma_start3A_71 = tpu.memref_slice %arg8[%dma_start3A_69, %dma_start3A_70] : memref<32x64xi32, #tpu.memory_space<vmem>> -> memref<1x64xi32, #tpu.memory_space<vmem>>
        %dma_start3A_72 = tpu.memref_squeeze %dma_start3A_71 : memref<1x64xi32, #tpu.memory_space<vmem>> -> memref<64xi32, #tpu.memory_space<vmem>>
        %dma_start3A_73 = arith.constant 0 : i32
        %dma_start3A_74 = arith.constant 0 : i32
        %dma_start3A_75 = tpu.memref_slice %arg2[%dma_start3A_73, %dma_start3A_74] : memref<10000x128xf32, #tpu.memory_space<hbm>> -> memref<10000x128xf32, #tpu.memory_space<hbm>>
        tpu.enqueue_indirect_dma source(%dma_start3A_75 : memref<10000x128xf32, #tpu.memory_space<hbm>>) target(%arg14 : memref<64x128xf32, #tpu.memory_space<vmem>>) offsets(%dma_start3A_72 : memref<64xi32, #tpu.memory_space<vmem>>) semaphore(%arg18 : memref<!tpu.dma_semaphore, #tpu.memory_space<semaphore_mem>>)
        %scan3A_76 = arith.constant 0 : i32
        %scan3A_77 = arith.constant 8 : i32
        %scan3A_78 = arith.addi %scan3A_76, %scan3A_77 : i32
        %scan3A_79 = arith.constant 1 : i32
        scf.for %scan3A_81 = %scan3A_76 to %scan3A_78 step %scan3A_79  : i32 {
          %mul3A_82 = arith.constant 4 : i32
          %mul3A_83 = arith.muli %scan3A_81, %mul3A_82 : i32
          %add3A_84 = arith.constant 0 : i32
          %add3A_85 = arith.addi %add3A_84, %mul3A_83 : i32
          %add3A_86 = arith.constant 0 : i32
          %add3A_87 = arith.addi %add3A_85, %add3A_86 : i32
          %dma_wait3A = arith.constant 0 : i32
          %dma_wait3A_88 = tpu.memref_slice %arg8[%add3A_87, %dma_wait3A] : memref<32x64xi32, #tpu.memory_space<vmem>> -> memref<1x64xi32, #tpu.memory_space<vmem>>
          %dma_wait3A_89 = tpu.memref_squeeze %dma_wait3A_88 : memref<1x64xi32, #tpu.memory_space<vmem>> -> memref<64xi32, #tpu.memory_space<vmem>>
          %dma_wait3A_90 = arith.constant 0 : i32
          %dma_wait3A_91 = arith.constant 0 : i32
          %dma_wait3A_92 = tpu.memref_slice %arg2[%dma_wait3A_90, %dma_wait3A_91] : memref<10000x128xf32, #tpu.memory_space<hbm>> -> memref<10000x128xf32, #tpu.memory_space<hbm>>
          tpu.wait_indirect_dma semaphore(%arg15 : memref<!tpu.dma_semaphore, #tpu.memory_space<semaphore_mem>>) src(%dma_wait3A_92 : memref<10000x128xf32, #tpu.memory_space<hbm>>) dst(%arg11 : memref<64x128xf32, #tpu.memory_space<vmem>>)
          %scan3A_93 = arith.constant 0 : i32
          %scan3A_94 = arith.constant 64 : i32
          %scan3A_95 = arith.addi %scan3A_93, %scan3A_94 : i32
          %scan3A_96 = arith.constant 1 : i32
          scf.for %scan3A_164 = %scan3A_93 to %scan3A_95 step %scan3A_96  : i32 {
            %mul3A_165 = arith.constant 1 : i32
            %mul3A_166 = arith.muli %scan3A_164, %mul3A_165 : i32
            %add3A_167 = arith.constant 0 : i32
            %add3A_168 = arith.addi %add3A_167, %mul3A_166 : i32
            %broadcast_in_dim3A = vector.broadcast %add3A_168 : i32 to vector<16xi32>
            %gather3A = arith.constant 0 : i32
            %gather3A_169 = tpu.memref_slice %arg10[%add3A_87, %gather3A] : memref<32x64xf32, #tpu.memory_space<vmem>> -> memref<1x64xf32, #tpu.memory_space<vmem>>
            %gather3A_170 = tpu.memref_squeeze %gather3A_169 : memref<1x64xf32, #tpu.memory_space<vmem>> -> memref<64xf32, #tpu.memory_space<vmem>>
            %gather3A_171 = tpu.vector_load_idx %gather3A_170[%broadcast_in_dim3A] : memref<64xf32, #tpu.memory_space<vmem>>[vector<16xi32>], vector<16xf32>,
            %get3A = arith.index_cast %add3A_168 : i32 to index
            %get3A_172 = arith.constant 0 : index
            %get3A_173 = tpu.vector_load %arg11[%get3A, %get3A_172] {strides = array<i32>} : memref<64x128xf32, #tpu.memory_space<vmem>>, vector<16xf32>,
            %mul3A_174 = arith.mulf %get3A_173, %gather3A_171 : vector<16xf32>
            %swap3A = arith.index_cast %add3A_168 : i32 to index
            %swap3A_175 = arith.constant 0 : index
            %swap3A_176 = tpu.vector_load %arg11[%swap3A, %swap3A_175] {strides = array<i32>} : memref<64x128xf32, #tpu.memory_space<vmem>>, vector<16xf32>,
            tpu.vector_store %arg11[%swap3A, %swap3A_175], %mul3A_174 {strides = array<i32>} : memref<64x128xf32, #tpu.memory_space<vmem>>, vector<16xf32>,
            %get3A_177 = arith.index_cast %add3A_168 : i32 to index
            %get3A_178 = arith.constant 16 : index
            %get3A_179 = tpu.vector_load %arg11[%get3A_177, %get3A_178] {strides = array<i32>} : memref<64x128xf32, #tpu.memory_space<vmem>>, vector<16xf32>,
            %mul3A_180 = arith.mulf %get3A_179, %gather3A_171 : vector<16xf32>
            %swap3A_181 = arith.index_cast %add3A_168 : i32 to index
            %swap3A_182 = arith.constant 16 : index
            %swap3A_183 = tpu.vector_load %arg11[%swap3A_181, %swap3A_182] {strides = array<i32>} : memref<64x128xf32, #tpu.memory_space<vmem>>, vector<16xf32>,
            tpu.vector_store %arg11[%swap3A_181, %swap3A_182], %mul3A_180 {strides = array<i32>} : memref<64x128xf32, #tpu.memory_space<vmem>>, vector<16xf32>,
            %get3A_184 = arith.index_cast %add3A_168 : i32 to index
            %get3A_185 = arith.constant 32 : index
            %get3A_186 = tpu.vector_load %arg11[%get3A_184, %get3A_185] {strides = array<i32>} : memref<64x128xf32, #tpu.memory_space<vmem>>, vector<16xf32>,
            %mul3A_187 = arith.mulf %get3A_186, %gather3A_171 : vector<16xf32>
            %swap3A_188 = arith.index_cast %add3A_168 : i32 to index
            %swap3A_189 = arith.constant 32 : index
            %swap3A_190 = tpu.vector_load %arg11[%swap3A_188, %swap3A_189] {strides = array<i32>} : memref<64x128xf32, #tpu.memory_space<vmem>>, vector<16xf32>,
            tpu.vector_store %arg11[%swap3A_188, %swap3A_189], %mul3A_187 {strides = array<i32>} : memref<64x128xf32, #tpu.memory_space<vmem>>, vector<16xf32>,
            %get3A_191 = arith.index_cast %add3A_168 : i32 to index
            %get3A_192 = arith.constant 48 : index
            %get3A_193 = tpu.vector_load %arg11[%get3A_191, %get3A_192] {strides = array<i32>} : memref<64x128xf32, #tpu.memory_space<vmem>>, vector<16xf32>,
            %mul3A_194 = arith.mulf %get3A_193, %gather3A_171 : vector<16xf32>
            %swap3A_195 = arith.index_cast %add3A_168 : i32 to index
            %swap3A_196 = arith.constant 48 : index
            %swap3A_197 = tpu.vector_load %arg11[%swap3A_195, %swap3A_196] {strides = array<i32>} : memref<64x128xf32, #tpu.memory_space<vmem>>, vector<16xf32>,
            tpu.vector_store %arg11[%swap3A_195, %swap3A_196], %mul3A_194 {strides = array<i32>} : memref<64x128xf32, #tpu.memory_space<vmem>>, vector<16xf32>,
            %get3A_198 = arith.index_cast %add3A_168 : i32 to index
            %get3A_199 = arith.constant 64 : index
            %get3A_200 = tpu.vector_load %arg11[%get3A_198, %get3A_199] {strides = array<i32>} : memref<64x128xf32, #tpu.memory_space<vmem>>, vector<16xf32>,
            %mul3A_201 = arith.mulf %get3A_200, %gather3A_171 : vector<16xf32>
            %swap3A_202 = arith.index_cast %add3A_168 : i32 to index
            %swap3A_203 = arith.constant 64 : index
            %swap3A_204 = tpu.vector_load %arg11[%swap3A_202, %swap3A_203] {strides = array<i32>} : memref<64x128xf32, #tpu.memory_space<vmem>>, vector<16xf32>,
            tpu.vector_store %arg11[%swap3A_202, %swap3A_203], %mul3A_201 {strides = array<i32>} : memref<64x128xf32, #tpu.memory_space<vmem>>, vector<16xf32>,
            %get3A_205 = arith.index_cast %add3A_168 : i32 to index
            %get3A_206 = arith.constant 80 : index
            %get3A_207 = tpu.vector_load %arg11[%get3A_205, %get3A_206] {strides = array<i32>} : memref<64x128xf32, #tpu.memory_space<vmem>>, vector<16xf32>,
            %mul3A_208 = arith.mulf %get3A_207, %gather3A_171 : vector<16xf32>
            %swap3A_209 = arith.index_cast %add3A_168 : i32 to index
            %swap3A_210 = arith.constant 80 : index
            %swap3A_211 = tpu.vector_load %arg11[%swap3A_209, %swap3A_210] {strides = array<i32>} : memref<64x128xf32, #tpu.memory_space<vmem>>, vector<16xf32>,
            tpu.vector_store %arg11[%swap3A_209, %swap3A_210], %mul3A_208 {strides = array<i32>} : memref<64x128xf32, #tpu.memory_space<vmem>>, vector<16xf32>,
            %get3A_212 = arith.index_cast %add3A_168 : i32 to index
            %get3A_213 = arith.constant 96 : index
            %get3A_214 = tpu.vector_load %arg11[%get3A_212, %get3A_213] {strides = array<i32>} : memref<64x128xf32, #tpu.memory_space<vmem>>, vector<16xf32>,
            %mul3A_215 = arith.mulf %get3A_214, %gather3A_171 : vector<16xf32>
            %swap3A_216 = arith.index_cast %add3A_168 : i32 to index
            %swap3A_217 = arith.constant 96 : index
            %swap3A_218 = tpu.vector_load %arg11[%swap3A_216, %swap3A_217] {strides = array<i32>} : memref<64x128xf32, #tpu.memory_space<vmem>>, vector<16xf32>,
            tpu.vector_store %arg11[%swap3A_216, %swap3A_217], %mul3A_215 {strides = array<i32>} : memref<64x128xf32, #tpu.memory_space<vmem>>, vector<16xf32>,
            %get3A_219 = arith.index_cast %add3A_168 : i32 to index
            %get3A_220 = arith.constant 112 : index
            %get3A_221 = tpu.vector_load %arg11[%get3A_219, %get3A_220] {strides = array<i32>} : memref<64x128xf32, #tpu.memory_space<vmem>>, vector<16xf32>,
            %mul3A_222 = arith.mulf %get3A_221, %gather3A_171 : vector<16xf32>
            %swap3A_223 = arith.index_cast %add3A_168 : i32 to index
            %swap3A_224 = arith.constant 112 : index
            %swap3A_225 = tpu.vector_load %arg11[%swap3A_223, %swap3A_224] {strides = array<i32>} : memref<64x128xf32, #tpu.memory_space<vmem>>, vector<16xf32>,
            tpu.vector_store %arg11[%swap3A_223, %swap3A_224], %mul3A_222 {strides = array<i32>} : memref<64x128xf32, #tpu.memory_space<vmem>>, vector<16xf32>,
          }
          %scan3A_97 = arith.constant 64 : i32
          "tpu.region"() ({
            %run_scoped3A = tpu.sem_alloc : memref<!tpu.dma_semaphore, #tpu.memory_space<semaphore_mem>>
            %dma_start3A_164 = arith.constant 0 : i32
            %dma_start3A_165 = tpu.memref_slice %arg9[%add3A_87, %dma_start3A_164] : memref<32x64xi32, #tpu.memory_space<vmem>> -> memref<1x64xi32, #tpu.memory_space<vmem>>
            %dma_start3A_166 = tpu.memref_squeeze %dma_start3A_165 : memref<1x64xi32, #tpu.memory_space<vmem>> -> memref<64xi32, #tpu.memory_space<vmem>>
            %dma_start3A_167 = arith.constant 0 : i32
            %dma_start3A_168 = arith.constant 0 : i32
            %dma_start3A_169 = tpu.memref_slice %arg7[%dma_start3A_167, %dma_start3A_168] : memref<10240x128xf32, #tpu.memory_space<vmem_shared>> -> memref<10240x128xf32, #tpu.memory_space<vmem_shared>>
            tpu.enqueue_indirect_dma source(%arg11 : memref<64x128xf32, #tpu.memory_space<vmem>>) target(%dma_start3A_169 : memref<10240x128xf32, #tpu.memory_space<vmem_shared>>) offsets(%dma_start3A_166 : memref<64xi32, #tpu.memory_space<vmem>>) semaphore(%run_scoped3A : memref<!tpu.dma_semaphore, #tpu.memory_space<semaphore_mem>>) {add = true}
            %dma_wait3A_170 = arith.constant 0 : i32
            %dma_wait3A_171 = tpu.memref_slice %arg9[%add3A_87, %dma_wait3A_170] : memref<32x64xi32, #tpu.memory_space<vmem>> -> memref<1x64xi32, #tpu.memory_space<vmem>>
            %dma_wait3A_172 = tpu.memref_squeeze %dma_wait3A_171 : memref<1x64xi32, #tpu.memory_space<vmem>> -> memref<64xi32, #tpu.memory_space<vmem>>
            %dma_wait3A_173 = arith.constant 0 : i32
            %dma_wait3A_174 = arith.constant 0 : i32
            %dma_wait3A_175 = tpu.memref_slice %arg7[%dma_wait3A_173, %dma_wait3A_174] : memref<10240x128xf32, #tpu.memory_space<vmem_shared>> -> memref<10240x128xf32, #tpu.memory_space<vmem_shared>>
            tpu.wait_indirect_dma semaphore(%run_scoped3A : memref<!tpu.dma_semaphore, #tpu.memory_space<semaphore_mem>>) src(%arg11 : memref<64x128xf32, #tpu.memory_space<vmem>>) dst(%dma_wait3A_175 : memref<10240x128xf32, #tpu.memory_space<vmem_shared>>)
            tpu.yield
          }) : () -> ()
          %add3A_98 = arith.constant 4 : i32
          %add3A_99 = arith.addi %add3A_87, %add3A_98 : i32
          %lt3A = arith.constant 32 : i32
          %lt3A_100 = arith.cmpi slt, %add3A_99, %lt3A : i32
          %convert_element_type3A_101 = arith.extui %lt3A_100 : i1 to i32
          %cond3A_102 = arith.constant 0 : i32
          %cond3A_103 = arith.cmpi ne, %convert_element_type3A_101, %cond3A_102 : i32
          scf.if %cond3A_103 {
            %add3A_164 = arith.constant 4 : i32
            %add3A_165 = arith.addi %add3A_87, %add3A_164 : i32
            %dma_start3A_166 = arith.constant 0 : i32
            %dma_start3A_167 = tpu.memref_slice %arg8[%add3A_165, %dma_start3A_166] : memref<32x64xi32, #tpu.memory_space<vmem>> -> memref<1x64xi32, #tpu.memory_space<vmem>>
            %dma_start3A_168 = tpu.memref_squeeze %dma_start3A_167 : memref<1x64xi32, #tpu.memory_space<vmem>> -> memref<64xi32, #tpu.memory_space<vmem>>
            %dma_start3A_169 = arith.constant 0 : i32
            %dma_start3A_170 = arith.constant 0 : i32
            %dma_start3A_171 = tpu.memref_slice %arg2[%dma_start3A_169, %dma_start3A_170] : memref<10000x128xf32, #tpu.memory_space<hbm>> -> memref<10000x128xf32, #tpu.memory_space<hbm>>
            tpu.enqueue_indirect_dma source(%dma_start3A_171 : memref<10000x128xf32, #tpu.memory_space<hbm>>) target(%arg11 : memref<64x128xf32, #tpu.memory_space<vmem>>) offsets(%dma_start3A_168 : memref<64xi32, #tpu.memory_space<vmem>>) semaphore(%arg15 : memref<!tpu.dma_semaphore, #tpu.memory_space<semaphore_mem>>)
          } else {
          }
          %add3A_104 = arith.constant 1 : i32
          %add3A_105 = arith.addi %add3A_85, %add3A_104 : i32
          %dma_wait3A_106 = arith.constant 0 : i32
          %dma_wait3A_107 = tpu.memref_slice %arg8[%add3A_105, %dma_wait3A_106] : memref<32x64xi32, #tpu.memory_space<vmem>> -> memref<1x64xi32, #tpu.memory_space<vmem>>
          %dma_wait3A_108 = tpu.memref_squeeze %dma_wait3A_107 : memref<1x64xi32, #tpu.memory_space<vmem>> -> memref<64xi32, #tpu.memory_space<vmem>>
          %dma_wait3A_109 = arith.constant 0 : i32
          %dma_wait3A_110 = arith.constant 0 : i32
          %dma_wait3A_111 = tpu.memref_slice %arg2[%dma_wait3A_109, %dma_wait3A_110] : memref<10000x128xf32, #tpu.memory_space<hbm>> -> memref<10000x128xf32, #tpu.memory_space<hbm>>
          tpu.wait_indirect_dma semaphore(%arg16 : memref<!tpu.dma_semaphore, #tpu.memory_space<semaphore_mem>>) src(%dma_wait3A_111 : memref<10000x128xf32, #tpu.memory_space<hbm>>) dst(%arg12 : memref<64x128xf32, #tpu.memory_space<vmem>>)
          %scan3A_112 = arith.constant 0 : i32
          %scan3A_113 = arith.constant 64 : i32
          %scan3A_114 = arith.addi %scan3A_112, %scan3A_113 : i32
          %scan3A_115 = arith.constant 1 : i32
          scf.for %scan3A_164 = %scan3A_112 to %scan3A_114 step %scan3A_115  : i32 {
            %mul3A_165 = arith.constant 1 : i32
            %mul3A_166 = arith.muli %scan3A_164, %mul3A_165 : i32
            %add3A_167 = arith.constant 0 : i32
            %add3A_168 = arith.addi %add3A_167, %mul3A_166 : i32
            %broadcast_in_dim3A = vector.broadcast %add3A_168 : i32 to vector<16xi32>
            %gather3A = arith.constant 0 : i32
            %gather3A_169 = tpu.memref_slice %arg10[%add3A_105, %gather3A] : memref<32x64xf32, #tpu.memory_space<vmem>> -> memref<1x64xf32, #tpu.memory_space<vmem>>
            %gather3A_170 = tpu.memref_squeeze %gather3A_169 : memref<1x64xf32, #tpu.memory_space<vmem>> -> memref<64xf32, #tpu.memory_space<vmem>>
            %gather3A_171 = tpu.vector_load_idx %gather3A_170[%broadcast_in_dim3A] : memref<64xf32, #tpu.memory_space<vmem>>[vector<16xi32>], vector<16xf32>,
            %get3A = arith.index_cast %add3A_168 : i32 to index
            %get3A_172 = arith.constant 0 : index
            %get3A_173 = tpu.vector_load %arg12[%get3A, %get3A_172] {strides = array<i32>} : memref<64x128xf32, #tpu.memory_space<vmem>>, vector<16xf32>,
            %mul3A_174 = arith.mulf %get3A_173, %gather3A_171 : vector<16xf32>
            %swap3A = arith.index_cast %add3A_168 : i32 to index
            %swap3A_175 = arith.constant 0 : index
            %swap3A_176 = tpu.vector_load %arg12[%swap3A, %swap3A_175] {strides = array<i32>} : memref<64x128xf32, #tpu.memory_space<vmem>>, vector<16xf32>,
            tpu.vector_store %arg12[%swap3A, %swap3A_175], %mul3A_174 {strides = array<i32>} : memref<64x128xf32, #tpu.memory_space<vmem>>, vector<16xf32>,
            %get3A_177 = arith.index_cast %add3A_168 : i32 to index
            %get3A_178 = arith.constant 16 : index
            %get3A_179 = tpu.vector_load %arg12[%get3A_177, %get3A_178] {strides = array<i32>} : memref<64x128xf32, #tpu.memory_space<vmem>>, vector<16xf32>,
            %mul3A_180 = arith.mulf %get3A_179, %gather3A_171 : vector<16xf32>
            %swap3A_181 = arith.index_cast %add3A_168 : i32 to index
            %swap3A_182 = arith.constant 16 : index
            %swap3A_183 = tpu.vector_load %arg12[%swap3A_181, %swap3A_182] {strides = array<i32>} : memref<64x128xf32, #tpu.memory_space<vmem>>, vector<16xf32>,
            tpu.vector_store %arg12[%swap3A_181, %swap3A_182], %mul3A_180 {strides = array<i32>} : memref<64x128xf32, #tpu.memory_space<vmem>>, vector<16xf32>,
            %get3A_184 = arith.index_cast %add3A_168 : i32 to index
            %get3A_185 = arith.constant 32 : index
            %get3A_186 = tpu.vector_load %arg12[%get3A_184, %get3A_185] {strides = array<i32>} : memref<64x128xf32, #tpu.memory_space<vmem>>, vector<16xf32>,
            %mul3A_187 = arith.mulf %get3A_186, %gather3A_171 : vector<16xf32>
            %swap3A_188 = arith.index_cast %add3A_168 : i32 to index
            %swap3A_189 = arith.constant 32 : index
            %swap3A_190 = tpu.vector_load %arg12[%swap3A_188, %swap3A_189] {strides = array<i32>} : memref<64x128xf32, #tpu.memory_space<vmem>>, vector<16xf32>,
            tpu.vector_store %arg12[%swap3A_188, %swap3A_189], %mul3A_187 {strides = array<i32>} : memref<64x128xf32, #tpu.memory_space<vmem>>, vector<16xf32>,
            %get3A_191 = arith.index_cast %add3A_168 : i32 to index
            %get3A_192 = arith.constant 48 : index
            %get3A_193 = tpu.vector_load %arg12[%get3A_191, %get3A_192] {strides = array<i32>} : memref<64x128xf32, #tpu.memory_space<vmem>>, vector<16xf32>,
            %mul3A_194 = arith.mulf %get3A_193, %gather3A_171 : vector<16xf32>
            %swap3A_195 = arith.index_cast %add3A_168 : i32 to index
            %swap3A_196 = arith.constant 48 : index
            %swap3A_197 = tpu.vector_load %arg12[%swap3A_195, %swap3A_196] {strides = array<i32>} : memref<64x128xf32, #tpu.memory_space<vmem>>, vector<16xf32>,
            tpu.vector_store %arg12[%swap3A_195, %swap3A_196], %mul3A_194 {strides = array<i32>} : memref<64x128xf32, #tpu.memory_space<vmem>>, vector<16xf32>,
            %get3A_198 = arith.index_cast %add3A_168 : i32 to index
            %get3A_199 = arith.constant 64 : index
            %get3A_200 = tpu.vector_load %arg12[%get3A_198, %get3A_199] {strides = array<i32>} : memref<64x128xf32, #tpu.memory_space<vmem>>, vector<16xf32>,
            %mul3A_201 = arith.mulf %get3A_200, %gather3A_171 : vector<16xf32>
            %swap3A_202 = arith.index_cast %add3A_168 : i32 to index
            %swap3A_203 = arith.constant 64 : index
            %swap3A_204 = tpu.vector_load %arg12[%swap3A_202, %swap3A_203] {strides = array<i32>} : memref<64x128xf32, #tpu.memory_space<vmem>>, vector<16xf32>,
            tpu.vector_store %arg12[%swap3A_202, %swap3A_203], %mul3A_201 {strides = array<i32>} : memref<64x128xf32, #tpu.memory_space<vmem>>, vector<16xf32>,
            %get3A_205 = arith.index_cast %add3A_168 : i32 to index
            %get3A_206 = arith.constant 80 : index
            %get3A_207 = tpu.vector_load %arg12[%get3A_205, %get3A_206] {strides = array<i32>} : memref<64x128xf32, #tpu.memory_space<vmem>>, vector<16xf32>,
            %mul3A_208 = arith.mulf %get3A_207, %gather3A_171 : vector<16xf32>
            %swap3A_209 = arith.index_cast %add3A_168 : i32 to index
            %swap3A_210 = arith.constant 80 : index
            %swap3A_211 = tpu.vector_load %arg12[%swap3A_209, %swap3A_210] {strides = array<i32>} : memref<64x128xf32, #tpu.memory_space<vmem>>, vector<16xf32>,
            tpu.vector_store %arg12[%swap3A_209, %swap3A_210], %mul3A_208 {strides = array<i32>} : memref<64x128xf32, #tpu.memory_space<vmem>>, vector<16xf32>,
            %get3A_212 = arith.index_cast %add3A_168 : i32 to index
            %get3A_213 = arith.constant 96 : index
            %get3A_214 = tpu.vector_load %arg12[%get3A_212, %get3A_213] {strides = array<i32>} : memref<64x128xf32, #tpu.memory_space<vmem>>, vector<16xf32>,
            %mul3A_215 = arith.mulf %get3A_214, %gather3A_171 : vector<16xf32>
            %swap3A_216 = arith.index_cast %add3A_168 : i32 to index
            %swap3A_217 = arith.constant 96 : index
            %swap3A_218 = tpu.vector_load %arg12[%swap3A_216, %swap3A_217] {strides = array<i32>} : memref<64x128xf32, #tpu.memory_space<vmem>>, vector<16xf32>,
            tpu.vector_store %arg12[%swap3A_216, %swap3A_217], %mul3A_215 {strides = array<i32>} : memref<64x128xf32, #tpu.memory_space<vmem>>, vector<16xf32>,
            %get3A_219 = arith.index_cast %add3A_168 : i32 to index
            %get3A_220 = arith.constant 112 : index
            %get3A_221 = tpu.vector_load %arg12[%get3A_219, %get3A_220] {strides = array<i32>} : memref<64x128xf32, #tpu.memory_space<vmem>>, vector<16xf32>,
            %mul3A_222 = arith.mulf %get3A_221, %gather3A_171 : vector<16xf32>
            %swap3A_223 = arith.index_cast %add3A_168 : i32 to index
            %swap3A_224 = arith.constant 112 : index
            %swap3A_225 = tpu.vector_load %arg12[%swap3A_223, %swap3A_224] {strides = array<i32>} : memref<64x128xf32, #tpu.memory_space<vmem>>, vector<16xf32>,
            tpu.vector_store %arg12[%swap3A_223, %swap3A_224], %mul3A_222 {strides = array<i32>} : memref<64x128xf32, #tpu.memory_space<vmem>>, vector<16xf32>,
          }
          %scan3A_116 = arith.constant 64 : i32
          "tpu.region"() ({
            %run_scoped3A = tpu.sem_alloc : memref<!tpu.dma_semaphore, #tpu.memory_space<semaphore_mem>>
            %dma_start3A_164 = arith.constant 0 : i32
            %dma_start3A_165 = tpu.memref_slice %arg9[%add3A_105, %dma_start3A_164] : memref<32x64xi32, #tpu.memory_space<vmem>> -> memref<1x64xi32, #tpu.memory_space<vmem>>
            %dma_start3A_166 = tpu.memref_squeeze %dma_start3A_165 : memref<1x64xi32, #tpu.memory_space<vmem>> -> memref<64xi32, #tpu.memory_space<vmem>>
            %dma_start3A_167 = arith.constant 0 : i32
            %dma_start3A_168 = arith.constant 0 : i32
            %dma_start3A_169 = tpu.memref_slice %arg7[%dma_start3A_167, %dma_start3A_168] : memref<10240x128xf32, #tpu.memory_space<vmem_shared>> -> memref<10240x128xf32, #tpu.memory_space<vmem_shared>>
            tpu.enqueue_indirect_dma source(%arg12 : memref<64x128xf32, #tpu.memory_space<vmem>>) target(%dma_start3A_169 : memref<10240x128xf32, #tpu.memory_space<vmem_shared>>) offsets(%dma_start3A_166 : memref<64xi32, #tpu.memory_space<vmem>>) semaphore(%run_scoped3A : memref<!tpu.dma_semaphore, #tpu.memory_space<semaphore_mem>>) {add = true}
            %dma_wait3A_170 = arith.constant 0 : i32
            %dma_wait3A_171 = tpu.memref_slice %arg9[%add3A_105, %dma_wait3A_170] : memref<32x64xi32, #tpu.memory_space<vmem>> -> memref<1x64xi32, #tpu.memory_space<vmem>>
            %dma_wait3A_172 = tpu.memref_squeeze %dma_wait3A_171 : memref<1x64xi32, #tpu.memory_space<vmem>> -> memref<64xi32, #tpu.memory_space<vmem>>
            %dma_wait3A_173 = arith.constant 0 : i32
            %dma_wait3A_174 = arith.constant 0 : i32
            %dma_wait3A_175 = tpu.memref_slice %arg7[%dma_wait3A_173, %dma_wait3A_174] : memref<10240x128xf32, #tpu.memory_space<vmem_shared>> -> memref<10240x128xf32, #tpu.memory_space<vmem_shared>>
            tpu.wait_indirect_dma semaphore(%run_scoped3A : memref<!tpu.dma_semaphore, #tpu.memory_space<semaphore_mem>>) src(%arg12 : memref<64x128xf32, #tpu.memory_space<vmem>>) dst(%dma_wait3A_175 : memref<10240x128xf32, #tpu.memory_space<vmem_shared>>)
            tpu.yield
          }) : () -> ()
          %add3A_117 = arith.constant 4 : i32
          %add3A_118 = arith.addi %add3A_105, %add3A_117 : i32
          %lt3A_119 = arith.constant 32 : i32
          %lt3A_120 = arith.cmpi slt, %add3A_118, %lt3A_119 : i32
          %convert_element_type3A_121 = arith.extui %lt3A_120 : i1 to i32
          %cond3A_122 = arith.constant 0 : i32
          %cond3A_123 = arith.cmpi ne, %convert_element_type3A_121, %cond3A_122 : i32
          scf.if %cond3A_123 {
            %add3A_164 = arith.constant 4 : i32
            %add3A_165 = arith.addi %add3A_105, %add3A_164 : i32
            %dma_start3A_166 = arith.constant 0 : i32
            %dma_start3A_167 = tpu.memref_slice %arg8[%add3A_165, %dma_start3A_166] : memref<32x64xi32, #tpu.memory_space<vmem>> -> memref<1x64xi32, #tpu.memory_space<vmem>>
            %dma_start3A_168 = tpu.memref_squeeze %dma_start3A_167 : memref<1x64xi32, #tpu.memory_space<vmem>> -> memref<64xi32, #tpu.memory_space<vmem>>
            %dma_start3A_169 = arith.constant 0 : i32
            %dma_start3A_170 = arith.constant 0 : i32
            %dma_start3A_171 = tpu.memref_slice %arg2[%dma_start3A_169, %dma_start3A_170] : memref<10000x128xf32, #tpu.memory_space<hbm>> -> memref<10000x128xf32, #tpu.memory_space<hbm>>
            tpu.enqueue_indirect_dma source(%dma_start3A_171 : memref<10000x128xf32, #tpu.memory_space<hbm>>) target(%arg12 : memref<64x128xf32, #tpu.memory_space<vmem>>) offsets(%dma_start3A_168 : memref<64xi32, #tpu.memory_space<vmem>>) semaphore(%arg16 : memref<!tpu.dma_semaphore, #tpu.memory_space<semaphore_mem>>)
          } else {
          }
          %add3A_124 = arith.constant 2 : i32
          %add3A_125 = arith.addi %add3A_85, %add3A_124 : i32
          %dma_wait3A_126 = arith.constant 0 : i32
          %dma_wait3A_127 = tpu.memref_slice %arg8[%add3A_125, %dma_wait3A_126] : memref<32x64xi32, #tpu.memory_space<vmem>> -> memref<1x64xi32, #tpu.memory_space<vmem>>
          %dma_wait3A_128 = tpu.memref_squeeze %dma_wait3A_127 : memref<1x64xi32, #tpu.memory_space<vmem>> -> memref<64xi32, #tpu.memory_space<vmem>>
          %dma_wait3A_129 = arith.constant 0 : i32
          %dma_wait3A_130 = arith.constant 0 : i32
          %dma_wait3A_131 = tpu.memref_slice %arg2[%dma_wait3A_129, %dma_wait3A_130] : memref<10000x128xf32, #tpu.memory_space<hbm>> -> memref<10000x128xf32, #tpu.memory_space<hbm>>
          tpu.wait_indirect_dma semaphore(%arg17 : memref<!tpu.dma_semaphore, #tpu.memory_space<semaphore_mem>>) src(%dma_wait3A_131 : memref<10000x128xf32, #tpu.memory_space<hbm>>) dst(%arg13 : memref<64x128xf32, #tpu.memory_space<vmem>>)
          %scan3A_132 = arith.constant 0 : i32
          %scan3A_133 = arith.constant 64 : i32
          %scan3A_134 = arith.addi %scan3A_132, %scan3A_133 : i32
          %scan3A_135 = arith.constant 1 : i32
          scf.for %scan3A_164 = %scan3A_132 to %scan3A_134 step %scan3A_135  : i32 {
            %mul3A_165 = arith.constant 1 : i32
            %mul3A_166 = arith.muli %scan3A_164, %mul3A_165 : i32
            %add3A_167 = arith.constant 0 : i32
            %add3A_168 = arith.addi %add3A_167, %mul3A_166 : i32
            %broadcast_in_dim3A = vector.broadcast %add3A_168 : i32 to vector<16xi32>
            %gather3A = arith.constant 0 : i32
            %gather3A_169 = tpu.memref_slice %arg10[%add3A_125, %gather3A] : memref<32x64xf32, #tpu.memory_space<vmem>> -> memref<1x64xf32, #tpu.memory_space<vmem>>
            %gather3A_170 = tpu.memref_squeeze %gather3A_169 : memref<1x64xf32, #tpu.memory_space<vmem>> -> memref<64xf32, #tpu.memory_space<vmem>>
            %gather3A_171 = tpu.vector_load_idx %gather3A_170[%broadcast_in_dim3A] : memref<64xf32, #tpu.memory_space<vmem>>[vector<16xi32>], vector<16xf32>,
            %get3A = arith.index_cast %add3A_168 : i32 to index
            %get3A_172 = arith.constant 0 : index
            %get3A_173 = tpu.vector_load %arg13[%get3A, %get3A_172] {strides = array<i32>} : memref<64x128xf32, #tpu.memory_space<vmem>>, vector<16xf32>,
            %mul3A_174 = arith.mulf %get3A_173, %gather3A_171 : vector<16xf32>
            %swap3A = arith.index_cast %add3A_168 : i32 to index
            %swap3A_175 = arith.constant 0 : index
            %swap3A_176 = tpu.vector_load %arg13[%swap3A, %swap3A_175] {strides = array<i32>} : memref<64x128xf32, #tpu.memory_space<vmem>>, vector<16xf32>,
            tpu.vector_store %arg13[%swap3A, %swap3A_175], %mul3A_174 {strides = array<i32>} : memref<64x128xf32, #tpu.memory_space<vmem>>, vector<16xf32>,
            %get3A_177 = arith.index_cast %add3A_168 : i32 to index
            %get3A_178 = arith.constant 16 : index
            %get3A_179 = tpu.vector_load %arg13[%get3A_177, %get3A_178] {strides = array<i32>} : memref<64x128xf32, #tpu.memory_space<vmem>>, vector<16xf32>,
            %mul3A_180 = arith.mulf %get3A_179, %gather3A_171 : vector<16xf32>
            %swap3A_181 = arith.index_cast %add3A_168 : i32 to index
            %swap3A_182 = arith.constant 16 : index
            %swap3A_183 = tpu.vector_load %arg13[%swap3A_181, %swap3A_182] {strides = array<i32>} : memref<64x128xf32, #tpu.memory_space<vmem>>, vector<16xf32>,
            tpu.vector_store %arg13[%swap3A_181, %swap3A_182], %mul3A_180 {strides = array<i32>} : memref<64x128xf32, #tpu.memory_space<vmem>>, vector<16xf32>,
            %get3A_184 = arith.index_cast %add3A_168 : i32 to index
            %get3A_185 = arith.constant 32 : index
            %get3A_186 = tpu.vector_load %arg13[%get3A_184, %get3A_185] {strides = array<i32>} : memref<64x128xf32, #tpu.memory_space<vmem>>, vector<16xf32>,
            %mul3A_187 = arith.mulf %get3A_186, %gather3A_171 : vector<16xf32>
            %swap3A_188 = arith.index_cast %add3A_168 : i32 to index
            %swap3A_189 = arith.constant 32 : index
            %swap3A_190 = tpu.vector_load %arg13[%swap3A_188, %swap3A_189] {strides = array<i32>} : memref<64x128xf32, #tpu.memory_space<vmem>>, vector<16xf32>,
            tpu.vector_store %arg13[%swap3A_188, %swap3A_189], %mul3A_187 {strides = array<i32>} : memref<64x128xf32, #tpu.memory_space<vmem>>, vector<16xf32>,
            %get3A_191 = arith.index_cast %add3A_168 : i32 to index
            %get3A_192 = arith.constant 48 : index
            %get3A_193 = tpu.vector_load %arg13[%get3A_191, %get3A_192] {strides = array<i32>} : memref<64x128xf32, #tpu.memory_space<vmem>>, vector<16xf32>,
            %mul3A_194 = arith.mulf %get3A_193, %gather3A_171 : vector<16xf32>
            %swap3A_195 = arith.index_cast %add3A_168 : i32 to index
            %swap3A_196 = arith.constant 48 : index
            %swap3A_197 = tpu.vector_load %arg13[%swap3A_195, %swap3A_196] {strides = array<i32>} : memref<64x128xf32, #tpu.memory_space<vmem>>, vector<16xf32>,
            tpu.vector_store %arg13[%swap3A_195, %swap3A_196], %mul3A_194 {strides = array<i32>} : memref<64x128xf32, #tpu.memory_space<vmem>>, vector<16xf32>,
            %get3A_198 = arith.index_cast %add3A_168 : i32 to index
            %get3A_199 = arith.constant 64 : index
            %get3A_200 = tpu.vector_load %arg13[%get3A_198, %get3A_199] {strides = array<i32>} : memref<64x128xf32, #tpu.memory_space<vmem>>, vector<16xf32>,
            %mul3A_201 = arith.mulf %get3A_200, %gather3A_171 : vector<16xf32>
            %swap3A_202 = arith.index_cast %add3A_168 : i32 to index
            %swap3A_203 = arith.constant 64 : index
            %swap3A_204 = tpu.vector_load %arg13[%swap3A_202, %swap3A_203] {strides = array<i32>} : memref<64x128xf32, #tpu.memory_space<vmem>>, vector<16xf32>,
            tpu.vector_store %arg13[%swap3A_202, %swap3A_203], %mul3A_201 {strides = array<i32>} : memref<64x128xf32, #tpu.memory_space<vmem>>, vector<16xf32>,
            %get3A_205 = arith.index_cast %add3A_168 : i32 to index
            %get3A_206 = arith.constant 80 : index
            %get3A_207 = tpu.vector_load %arg13[%get3A_205, %get3A_206] {strides = array<i32>} : memref<64x128xf32, #tpu.memory_space<vmem>>, vector<16xf32>,
            %mul3A_208 = arith.mulf %get3A_207, %gather3A_171 : vector<16xf32>
            %swap3A_209 = arith.index_cast %add3A_168 : i32 to index
            %swap3A_210 = arith.constant 80 : index
            %swap3A_211 = tpu.vector_load %arg13[%swap3A_209, %swap3A_210] {strides = array<i32>} : memref<64x128xf32, #tpu.memory_space<vmem>>, vector<16xf32>,
            tpu.vector_store %arg13[%swap3A_209, %swap3A_210], %mul3A_208 {strides = array<i32>} : memref<64x128xf32, #tpu.memory_space<vmem>>, vector<16xf32>,
            %get3A_212 = arith.index_cast %add3A_168 : i32 to index
            %get3A_213 = arith.constant 96 : index
            %get3A_214 = tpu.vector_load %arg13[%get3A_212, %get3A_213] {strides = array<i32>} : memref<64x128xf32, #tpu.memory_space<vmem>>, vector<16xf32>,
            %mul3A_215 = arith.mulf %get3A_214, %gather3A_171 : vector<16xf32>
            %swap3A_216 = arith.index_cast %add3A_168 : i32 to index
            %swap3A_217 = arith.constant 96 : index
            %swap3A_218 = tpu.vector_load %arg13[%swap3A_216, %swap3A_217] {strides = array<i32>} : memref<64x128xf32, #tpu.memory_space<vmem>>, vector<16xf32>,
            tpu.vector_store %arg13[%swap3A_216, %swap3A_217], %mul3A_215 {strides = array<i32>} : memref<64x128xf32, #tpu.memory_space<vmem>>, vector<16xf32>,
            %get3A_219 = arith.index_cast %add3A_168 : i32 to index
            %get3A_220 = arith.constant 112 : index
            %get3A_221 = tpu.vector_load %arg13[%get3A_219, %get3A_220] {strides = array<i32>} : memref<64x128xf32, #tpu.memory_space<vmem>>, vector<16xf32>,
            %mul3A_222 = arith.mulf %get3A_221, %gather3A_171 : vector<16xf32>
            %swap3A_223 = arith.index_cast %add3A_168 : i32 to index
            %swap3A_224 = arith.constant 112 : index
            %swap3A_225 = tpu.vector_load %arg13[%swap3A_223, %swap3A_224] {strides = array<i32>} : memref<64x128xf32, #tpu.memory_space<vmem>>, vector<16xf32>,
            tpu.vector_store %arg13[%swap3A_223, %swap3A_224], %mul3A_222 {strides = array<i32>} : memref<64x128xf32, #tpu.memory_space<vmem>>, vector<16xf32>,
          }
          %scan3A_136 = arith.constant 64 : i32
          "tpu.region"() ({
            %run_scoped3A = tpu.sem_alloc : memref<!tpu.dma_semaphore, #tpu.memory_space<semaphore_mem>>
            %dma_start3A_164 = arith.constant 0 : i32
            %dma_start3A_165 = tpu.memref_slice %arg9[%add3A_125, %dma_start3A_164] : memref<32x64xi32, #tpu.memory_space<vmem>> -> memref<1x64xi32, #tpu.memory_space<vmem>>
            %dma_start3A_166 = tpu.memref_squeeze %dma_start3A_165 : memref<1x64xi32, #tpu.memory_space<vmem>> -> memref<64xi32, #tpu.memory_space<vmem>>
            %dma_start3A_167 = arith.constant 0 : i32
            %dma_start3A_168 = arith.constant 0 : i32
            %dma_start3A_169 = tpu.memref_slice %arg7[%dma_start3A_167, %dma_start3A_168] : memref<10240x128xf32, #tpu.memory_space<vmem_shared>> -> memref<10240x128xf32, #tpu.memory_space<vmem_shared>>
            tpu.enqueue_indirect_dma source(%arg13 : memref<64x128xf32, #tpu.memory_space<vmem>>) target(%dma_start3A_169 : memref<10240x128xf32, #tpu.memory_space<vmem_shared>>) offsets(%dma_start3A_166 : memref<64xi32, #tpu.memory_space<vmem>>) semaphore(%run_scoped3A : memref<!tpu.dma_semaphore, #tpu.memory_space<semaphore_mem>>) {add = true}
            %dma_wait3A_170 = arith.constant 0 : i32
            %dma_wait3A_171 = tpu.memref_slice %arg9[%add3A_125, %dma_wait3A_170] : memref<32x64xi32, #tpu.memory_space<vmem>> -> memref<1x64xi32, #tpu.memory_space<vmem>>
            %dma_wait3A_172 = tpu.memref_squeeze %dma_wait3A_171 : memref<1x64xi32, #tpu.memory_space<vmem>> -> memref<64xi32, #tpu.memory_space<vmem>>
            %dma_wait3A_173 = arith.constant 0 : i32
            %dma_wait3A_174 = arith.constant 0 : i32
            %dma_wait3A_175 = tpu.memref_slice %arg7[%dma_wait3A_173, %dma_wait3A_174] : memref<10240x128xf32, #tpu.memory_space<vmem_shared>> -> memref<10240x128xf32, #tpu.memory_space<vmem_shared>>
            tpu.wait_indirect_dma semaphore(%run_scoped3A : memref<!tpu.dma_semaphore, #tpu.memory_space<semaphore_mem>>) src(%arg13 : memref<64x128xf32, #tpu.memory_space<vmem>>) dst(%dma_wait3A_175 : memref<10240x128xf32, #tpu.memory_space<vmem_shared>>)
            tpu.yield
          }) : () -> ()
          %add3A_137 = arith.constant 4 : i32
          %add3A_138 = arith.addi %add3A_125, %add3A_137 : i32
          %lt3A_139 = arith.constant 32 : i32
          %lt3A_140 = arith.cmpi slt, %add3A_138, %lt3A_139 : i32
          %convert_element_type3A_141 = arith.extui %lt3A_140 : i1 to i32
          %cond3A_142 = arith.constant 0 : i32
          %cond3A_143 = arith.cmpi ne, %convert_element_type3A_141, %cond3A_142 : i32
          scf.if %cond3A_143 {
            %add3A_164 = arith.constant 4 : i32
            %add3A_165 = arith.addi %add3A_125, %add3A_164 : i32
            %dma_start3A_166 = arith.constant 0 : i32
            %dma_start3A_167 = tpu.memref_slice %arg8[%add3A_165, %dma_start3A_166] : memref<32x64xi32, #tpu.memory_space<vmem>> -> memref<1x64xi32, #tpu.memory_space<vmem>>
            %dma_start3A_168 = tpu.memref_squeeze %dma_start3A_167 : memref<1x64xi32, #tpu.memory_space<vmem>> -> memref<64xi32, #tpu.memory_space<vmem>>
            %dma_start3A_169 = arith.constant 0 : i32
            %dma_start3A_170 = arith.constant 0 : i32
            %dma_start3A_171 = tpu.memref_slice %arg2[%dma_start3A_169, %dma_start3A_170] : memref<10000x128xf32, #tpu.memory_space<hbm>> -> memref<10000x128xf32, #tpu.memory_space<hbm>>
            tpu.enqueue_indirect_dma source(%dma_start3A_171 : memref<10000x128xf32, #tpu.memory_space<hbm>>) target(%arg13 : memref<64x128xf32, #tpu.memory_space<vmem>>) offsets(%dma_start3A_168 : memref<64xi32, #tpu.memory_space<vmem>>) semaphore(%arg17 : memref<!tpu.dma_semaphore, #tpu.memory_space<semaphore_mem>>)
          } else {
          }
          %add3A_144 = arith.constant 3 : i32
          %add3A_145 = arith.addi %add3A_85, %add3A_144 : i32
          %dma_wait3A_146 = arith.constant 0 : i32
          %dma_wait3A_147 = tpu.memref_slice %arg8[%add3A_145, %dma_wait3A_146] : memref<32x64xi32, #tpu.memory_space<vmem>> -> memref<1x64xi32, #tpu.memory_space<vmem>>
          %dma_wait3A_148 = tpu.memref_squeeze %dma_wait3A_147 : memref<1x64xi32, #tpu.memory_space<vmem>> -> memref<64xi32, #tpu.memory_space<vmem>>
          %dma_wait3A_149 = arith.constant 0 : i32
          %dma_wait3A_150 = arith.constant 0 : i32
          %dma_wait3A_151 = tpu.memref_slice %arg2[%dma_wait3A_149, %dma_wait3A_150] : memref<10000x128xf32, #tpu.memory_space<hbm>> -> memref<10000x128xf32, #tpu.memory_space<hbm>>
          tpu.wait_indirect_dma semaphore(%arg18 : memref<!tpu.dma_semaphore, #tpu.memory_space<semaphore_mem>>) src(%dma_wait3A_151 : memref<10000x128xf32, #tpu.memory_space<hbm>>) dst(%arg14 : memref<64x128xf32, #tpu.memory_space<vmem>>)
          %scan3A_152 = arith.constant 0 : i32
          %scan3A_153 = arith.constant 64 : i32
          %scan3A_154 = arith.addi %scan3A_152, %scan3A_153 : i32
          %scan3A_155 = arith.constant 1 : i32
          scf.for %scan3A_164 = %scan3A_152 to %scan3A_154 step %scan3A_155  : i32 {
            %mul3A_165 = arith.constant 1 : i32
            %mul3A_166 = arith.muli %scan3A_164, %mul3A_165 : i32
            %add3A_167 = arith.constant 0 : i32
            %add3A_168 = arith.addi %add3A_167, %mul3A_166 : i32
            %broadcast_in_dim3A = vector.broadcast %add3A_168 : i32 to vector<16xi32>
            %gather3A = arith.constant 0 : i32
            %gather3A_169 = tpu.memref_slice %arg10[%add3A_145, %gather3A] : memref<32x64xf32, #tpu.memory_space<vmem>> -> memref<1x64xf32, #tpu.memory_space<vmem>>
            %gather3A_170 = tpu.memref_squeeze %gather3A_169 : memref<1x64xf32, #tpu.memory_space<vmem>> -> memref<64xf32, #tpu.memory_space<vmem>>
            %gather3A_171 = tpu.vector_load_idx %gather3A_170[%broadcast_in_dim3A] : memref<64xf32, #tpu.memory_space<vmem>>[vector<16xi32>], vector<16xf32>,
            %get3A = arith.index_cast %add3A_168 : i32 to index
            %get3A_172 = arith.constant 0 : index
            %get3A_173 = tpu.vector_load %arg14[%get3A, %get3A_172] {strides = array<i32>} : memref<64x128xf32, #tpu.memory_space<vmem>>, vector<16xf32>,
            %mul3A_174 = arith.mulf %get3A_173, %gather3A_171 : vector<16xf32>
            %swap3A = arith.index_cast %add3A_168 : i32 to index
            %swap3A_175 = arith.constant 0 : index
            %swap3A_176 = tpu.vector_load %arg14[%swap3A, %swap3A_175] {strides = array<i32>} : memref<64x128xf32, #tpu.memory_space<vmem>>, vector<16xf32>,
            tpu.vector_store %arg14[%swap3A, %swap3A_175], %mul3A_174 {strides = array<i32>} : memref<64x128xf32, #tpu.memory_space<vmem>>, vector<16xf32>,
            %get3A_177 = arith.index_cast %add3A_168 : i32 to index
            %get3A_178 = arith.constant 16 : index
            %get3A_179 = tpu.vector_load %arg14[%get3A_177, %get3A_178] {strides = array<i32>} : memref<64x128xf32, #tpu.memory_space<vmem>>, vector<16xf32>,
            %mul3A_180 = arith.mulf %get3A_179, %gather3A_171 : vector<16xf32>
            %swap3A_181 = arith.index_cast %add3A_168 : i32 to index
            %swap3A_182 = arith.constant 16 : index
            %swap3A_183 = tpu.vector_load %arg14[%swap3A_181, %swap3A_182] {strides = array<i32>} : memref<64x128xf32, #tpu.memory_space<vmem>>, vector<16xf32>,
            tpu.vector_store %arg14[%swap3A_181, %swap3A_182], %mul3A_180 {strides = array<i32>} : memref<64x128xf32, #tpu.memory_space<vmem>>, vector<16xf32>,
            %get3A_184 = arith.index_cast %add3A_168 : i32 to index
            %get3A_185 = arith.constant 32 : index
            %get3A_186 = tpu.vector_load %arg14[%get3A_184, %get3A_185] {strides = array<i32>} : memref<64x128xf32, #tpu.memory_space<vmem>>, vector<16xf32>,
            %mul3A_187 = arith.mulf %get3A_186, %gather3A_171 : vector<16xf32>
            %swap3A_188 = arith.index_cast %add3A_168 : i32 to index
            %swap3A_189 = arith.constant 32 : index
            %swap3A_190 = tpu.vector_load %arg14[%swap3A_188, %swap3A_189] {strides = array<i32>} : memref<64x128xf32, #tpu.memory_space<vmem>>, vector<16xf32>,
            tpu.vector_store %arg14[%swap3A_188, %swap3A_189], %mul3A_187 {strides = array<i32>} : memref<64x128xf32, #tpu.memory_space<vmem>>, vector<16xf32>,
            %get3A_191 = arith.index_cast %add3A_168 : i32 to index
            %get3A_192 = arith.constant 48 : index
            %get3A_193 = tpu.vector_load %arg14[%get3A_191, %get3A_192] {strides = array<i32>} : memref<64x128xf32, #tpu.memory_space<vmem>>, vector<16xf32>,
            %mul3A_194 = arith.mulf %get3A_193, %gather3A_171 : vector<16xf32>
            %swap3A_195 = arith.index_cast %add3A_168 : i32 to index
            %swap3A_196 = arith.constant 48 : index
            %swap3A_197 = tpu.vector_load %arg14[%swap3A_195, %swap3A_196] {strides = array<i32>} : memref<64x128xf32, #tpu.memory_space<vmem>>, vector<16xf32>,
            tpu.vector_store %arg14[%swap3A_195, %swap3A_196], %mul3A_194 {strides = array<i32>} : memref<64x128xf32, #tpu.memory_space<vmem>>, vector<16xf32>,
            %get3A_198 = arith.index_cast %add3A_168 : i32 to index
            %get3A_199 = arith.constant 64 : index
            %get3A_200 = tpu.vector_load %arg14[%get3A_198, %get3A_199] {strides = array<i32>} : memref<64x128xf32, #tpu.memory_space<vmem>>, vector<16xf32>,
            %mul3A_201 = arith.mulf %get3A_200, %gather3A_171 : vector<16xf32>
            %swap3A_202 = arith.index_cast %add3A_168 : i32 to index
            %swap3A_203 = arith.constant 64 : index
            %swap3A_204 = tpu.vector_load %arg14[%swap3A_202, %swap3A_203] {strides = array<i32>} : memref<64x128xf32, #tpu.memory_space<vmem>>, vector<16xf32>,
            tpu.vector_store %arg14[%swap3A_202, %swap3A_203], %mul3A_201 {strides = array<i32>} : memref<64x128xf32, #tpu.memory_space<vmem>>, vector<16xf32>,
            %get3A_205 = arith.index_cast %add3A_168 : i32 to index
            %get3A_206 = arith.constant 80 : index
            %get3A_207 = tpu.vector_load %arg14[%get3A_205, %get3A_206] {strides = array<i32>} : memref<64x128xf32, #tpu.memory_space<vmem>>, vector<16xf32>,
            %mul3A_208 = arith.mulf %get3A_207, %gather3A_171 : vector<16xf32>
            %swap3A_209 = arith.index_cast %add3A_168 : i32 to index
            %swap3A_210 = arith.constant 80 : index
            %swap3A_211 = tpu.vector_load %arg14[%swap3A_209, %swap3A_210] {strides = array<i32>} : memref<64x128xf32, #tpu.memory_space<vmem>>, vector<16xf32>,
            tpu.vector_store %arg14[%swap3A_209, %swap3A_210], %mul3A_208 {strides = array<i32>} : memref<64x128xf32, #tpu.memory_space<vmem>>, vector<16xf32>,
            %get3A_212 = arith.index_cast %add3A_168 : i32 to index
            %get3A_213 = arith.constant 96 : index
            %get3A_214 = tpu.vector_load %arg14[%get3A_212, %get3A_213] {strides = array<i32>} : memref<64x128xf32, #tpu.memory_space<vmem>>, vector<16xf32>,
            %mul3A_215 = arith.mulf %get3A_214, %gather3A_171 : vector<16xf32>
            %swap3A_216 = arith.index_cast %add3A_168 : i32 to index
            %swap3A_217 = arith.constant 96 : index
            %swap3A_218 = tpu.vector_load %arg14[%swap3A_216, %swap3A_217] {strides = array<i32>} : memref<64x128xf32, #tpu.memory_space<vmem>>, vector<16xf32>,
            tpu.vector_store %arg14[%swap3A_216, %swap3A_217], %mul3A_215 {strides = array<i32>} : memref<64x128xf32, #tpu.memory_space<vmem>>, vector<16xf32>,
            %get3A_219 = arith.index_cast %add3A_168 : i32 to index
            %get3A_220 = arith.constant 112 : index
            %get3A_221 = tpu.vector_load %arg14[%get3A_219, %get3A_220] {strides = array<i32>} : memref<64x128xf32, #tpu.memory_space<vmem>>, vector<16xf32>,
            %mul3A_222 = arith.mulf %get3A_221, %gather3A_171 : vector<16xf32>
            %swap3A_223 = arith.index_cast %add3A_168 : i32 to index
            %swap3A_224 = arith.constant 112 : index
            %swap3A_225 = tpu.vector_load %arg14[%swap3A_223, %swap3A_224] {strides = array<i32>} : memref<64x128xf32, #tpu.memory_space<vmem>>, vector<16xf32>,
            tpu.vector_store %arg14[%swap3A_223, %swap3A_224], %mul3A_222 {strides = array<i32>} : memref<64x128xf32, #tpu.memory_space<vmem>>, vector<16xf32>,
          }
          %scan3A_156 = arith.constant 64 : i32
          "tpu.region"() ({
            %run_scoped3A = tpu.sem_alloc : memref<!tpu.dma_semaphore, #tpu.memory_space<semaphore_mem>>
            %dma_start3A_164 = arith.constant 0 : i32
            %dma_start3A_165 = tpu.memref_slice %arg9[%add3A_145, %dma_start3A_164] : memref<32x64xi32, #tpu.memory_space<vmem>> -> memref<1x64xi32, #tpu.memory_space<vmem>>
            %dma_start3A_166 = tpu.memref_squeeze %dma_start3A_165 : memref<1x64xi32, #tpu.memory_space<vmem>> -> memref<64xi32, #tpu.memory_space<vmem>>
            %dma_start3A_167 = arith.constant 0 : i32
            %dma_start3A_168 = arith.constant 0 : i32
            %dma_start3A_169 = tpu.memref_slice %arg7[%dma_start3A_167, %dma_start3A_168] : memref<10240x128xf32, #tpu.memory_space<vmem_shared>> -> memref<10240x128xf32, #tpu.memory_space<vmem_shared>>
            tpu.enqueue_indirect_dma source(%arg14 : memref<64x128xf32, #tpu.memory_space<vmem>>) target(%dma_start3A_169 : memref<10240x128xf32, #tpu.memory_space<vmem_shared>>) offsets(%dma_start3A_166 : memref<64xi32, #tpu.memory_space<vmem>>) semaphore(%run_scoped3A : memref<!tpu.dma_semaphore, #tpu.memory_space<semaphore_mem>>) {add = true}
            %dma_wait3A_170 = arith.constant 0 : i32
            %dma_wait3A_171 = tpu.memref_slice %arg9[%add3A_145, %dma_wait3A_170] : memref<32x64xi32, #tpu.memory_space<vmem>> -> memref<1x64xi32, #tpu.memory_space<vmem>>
            %dma_wait3A_172 = tpu.memref_squeeze %dma_wait3A_171 : memref<1x64xi32, #tpu.memory_space<vmem>> -> memref<64xi32, #tpu.memory_space<vmem>>
            %dma_wait3A_173 = arith.constant 0 : i32
            %dma_wait3A_174 = arith.constant 0 : i32
            %dma_wait3A_175 = tpu.memref_slice %arg7[%dma_wait3A_173, %dma_wait3A_174] : memref<10240x128xf32, #tpu.memory_space<vmem_shared>> -> memref<10240x128xf32, #tpu.memory_space<vmem_shared>>
            tpu.wait_indirect_dma semaphore(%run_scoped3A : memref<!tpu.dma_semaphore, #tpu.memory_space<semaphore_mem>>) src(%arg14 : memref<64x128xf32, #tpu.memory_space<vmem>>) dst(%dma_wait3A_175 : memref<10240x128xf32, #tpu.memory_space<vmem_shared>>)
            tpu.yield
          }) : () -> ()
          %add3A_157 = arith.constant 4 : i32
          %add3A_158 = arith.addi %add3A_145, %add3A_157 : i32
          %lt3A_159 = arith.constant 32 : i32
          %lt3A_160 = arith.cmpi slt, %add3A_158, %lt3A_159 : i32
          %convert_element_type3A_161 = arith.extui %lt3A_160 : i1 to i32
          %cond3A_162 = arith.constant 0 : i32
          %cond3A_163 = arith.cmpi ne, %convert_element_type3A_161, %cond3A_162 : i32
          scf.if %cond3A_163 {
            %add3A_164 = arith.constant 4 : i32
            %add3A_165 = arith.addi %add3A_145, %add3A_164 : i32
            %dma_start3A_166 = arith.constant 0 : i32
            %dma_start3A_167 = tpu.memref_slice %arg8[%add3A_165, %dma_start3A_166] : memref<32x64xi32, #tpu.memory_space<vmem>> -> memref<1x64xi32, #tpu.memory_space<vmem>>
            %dma_start3A_168 = tpu.memref_squeeze %dma_start3A_167 : memref<1x64xi32, #tpu.memory_space<vmem>> -> memref<64xi32, #tpu.memory_space<vmem>>
            %dma_start3A_169 = arith.constant 0 : i32
            %dma_start3A_170 = arith.constant 0 : i32
            %dma_start3A_171 = tpu.memref_slice %arg2[%dma_start3A_169, %dma_start3A_170] : memref<10000x128xf32, #tpu.memory_space<hbm>> -> memref<10000x128xf32, #tpu.memory_space<hbm>>
            tpu.enqueue_indirect_dma source(%dma_start3A_171 : memref<10000x128xf32, #tpu.memory_space<hbm>>) target(%arg14 : memref<64x128xf32, #tpu.memory_space<vmem>>) offsets(%dma_start3A_168 : memref<64xi32, #tpu.memory_space<vmem>>) semaphore(%arg18 : memref<!tpu.dma_semaphore, #tpu.memory_space<semaphore_mem>>)
          } else {
          }
        }
        %scan3A_80 = arith.constant 8 : i32
      }
      %scan3A_40 = arith.constant 2 : i32
    } else {
    }
    %barrier3A_31 = arith.constant 0 : index
    tpu.barrier barrier_id(%barrier3A_31)
    "tpu.region"() ({
      %run_scoped3A = tpu.sem_alloc : memref<!tpu.dma_semaphore, #tpu.memory_space<semaphore_mem>>
      %dma_start3A = arith.constant 0 : i32
      %dma_start3A_32 = tpu.memref_slice %arg6[%arg0, %mul3A_4, %dma_start3A] : memref<2x10240x128xf32, #tpu.memory_space<hbm>> -> memref<1x640x128xf32, #tpu.memory_space<hbm>>
      %dma_start3A_33 = tpu.memref_squeeze %dma_start3A_32 : memref<1x640x128xf32, #tpu.memory_space<hbm>> -> memref<640x128xf32, #tpu.memory_space<hbm>>
      %dma_start3A_34 = arith.constant 0 : i32
      %dma_start3A_35 = tpu.memref_slice %arg7[%mul3A_4, %dma_start3A_34] : memref<10240x128xf32, #tpu.memory_space<vmem_shared>> -> memref<640x128xf32, #tpu.memory_space<vmem_shared>>
      tpu.enqueue_dma source(%dma_start3A_35 : memref<640x128xf32, #tpu.memory_space<vmem_shared>>) target(%dma_start3A_33 : memref<640x128xf32, #tpu.memory_space<hbm>>) target_semaphore(%run_scoped3A : memref<!tpu.dma_semaphore, #tpu.memory_space<semaphore_mem>>)
      %dma_wait3A = arith.constant 0 : i32
      %dma_wait3A_36 = tpu.memref_slice %arg6[%arg0, %mul3A_4, %dma_wait3A] : memref<2x10240x128xf32, #tpu.memory_space<hbm>> -> memref<1x640x128xf32, #tpu.memory_space<hbm>>
      %dma_wait3A_37 = tpu.memref_squeeze %dma_wait3A_36 : memref<1x640x128xf32, #tpu.memory_space<hbm>> -> memref<640x128xf32, #tpu.memory_space<hbm>>
      %dma_wait3A_38 = arith.constant 0 : i32
      %dma_wait3A_39 = tpu.memref_slice %arg7[%mul3A_4, %dma_wait3A_38] : memref<10240x128xf32, #tpu.memory_space<vmem_shared>> -> memref<640x128xf32, #tpu.memory_space<vmem_shared>>
      tpu.wait_dma2 semaphore(%run_scoped3A : memref<!tpu.dma_semaphore, #tpu.memory_space<semaphore_mem>>) src(%dma_wait3A_39 : memref<640x128xf32, #tpu.memory_space<vmem_shared>>) dst(%dma_wait3A_37 : memref<640x128xf32, #tpu.memory_space<hbm>>)
      tpu.yield
    }) : () -> ()
    return
  }
}

module attributes {stable_mosaic.version = 14 : i64} {
  func.func @_mm_body(%arg0: i32, %arg1: memref<1000x128xf32, #tpu.memory_space<vmem>>, %arg2: memref<128x128xf32, #tpu.memory_space<vmem>>, %arg3: memref<1000x128xf32, #tpu.memory_space<vmem>>) attributes {dimension_semantics = [#tpu.dimension_semantics<arbitrary>], iteration_bounds = array<i64: 10>, scalar_prefetch = 0 : i64, scratch_operands = 0 : i64, tpu.core_type = #tpu.core_type<tc>, window_params = [{transform_indices = @transform_0, window_bounds = array<i64: 1000, 128>}, {pipeline_mode = #tpu.pipeline_mode<synchronous>, transform_indices = @transform_1, window_bounds = array<i64: 128, 128>}, {transform_indices = @transform_2, window_bounds = array<i64: 1000, 128>}]} {
    %get3A = arith.constant 0 : index
    %get3A_0 = arith.constant 0 : index
    %get3A_1 = vector.load %arg1[%get3A, %get3A_0] : memref<1000x128xf32, #tpu.memory_space<vmem>>, vector<1000x128xf32>
    %get3A_2 = arith.constant 0 : index
    %get3A_3 = arith.constant 0 : index
    %get3A_4 = vector.load %arg2[%get3A_2, %get3A_3] : memref<128x128xf32, #tpu.memory_space<vmem>>, vector<128x128xf32>
    %dot_general3A = arith.constant dense<0.000000e+00> : vector<1000x128xf32>
    %dot_general3A_5 = tpu.matmul %get3A_1, %get3A_4, %dot_general3A {dimension_numbers = #tpu.dot_dimension_numbers<[1], [0], [0], [1], [0, 0, 1, 1], [], []>, transpose_lhs_hint = false} : vector<1000x128xf32>, vector<128x128xf32>, vector<1000x128xf32> -> vector<1000x128xf32>
    %swap3A = arith.constant 0 : index
    %swap3A_6 = arith.constant 0 : index
    %swap3A_7 = vector.load %arg3[%swap3A, %swap3A_6] : memref<1000x128xf32, #tpu.memory_space<vmem>>, vector<1000x128xf32>
    tpu.vector_store %arg3[%swap3A, %swap3A_6], %dot_general3A_5 {strides = array<i32>} : memref<1000x128xf32, #tpu.memory_space<vmem>>, vector<1000x128xf32>,
    return
  }
  func.func @transform_0(%arg0: i32) -> (i32, i32) {
    %c0_i32 = arith.constant 0 : i32
    %c0_i32_0 = arith.constant 0 : i32
    return %arg0, %c0_i32 : i32, i32
  }
  func.func @transform_1(%arg0: i32) -> (i32, i32) {
    %c0_i32 = arith.constant 0 : i32
    %c0_i32_0 = arith.constant 0 : i32
    %c0_i32_1 = arith.constant 0 : i32
    return %c0_i32, %c0_i32_0 : i32, i32
  }
  func.func @transform_2(%arg0: i32) -> (i32, i32) {
    %c0_i32 = arith.constant 0 : i32
    %c0_i32_0 = arith.constant 0 : i32
    return %arg0, %c0_i32 : i32, i32
  }
}

module attributes {stable_mosaic.version = 14 : i64} {
  func.func @_combine_body(%arg0: i32, %arg1: memref<2x1000x128xf32, #tpu.memory_space<vmem>>, %arg2: memref<1x128xf32, #tpu.memory_space<vmem>>, %arg3: memref<1000x128xf32, #tpu.memory_space<vmem>>) attributes {dimension_semantics = [#tpu.dimension_semantics<arbitrary>], iteration_bounds = array<i64: 10>, scalar_prefetch = 0 : i64, scratch_operands = 0 : i64, tpu.core_type = #tpu.core_type<tc>, window_params = [{transform_indices = @transform_0, window_bounds = array<i64: 2, 1000, 128>}, {pipeline_mode = #tpu.pipeline_mode<synchronous>, transform_indices = @transform_1, window_bounds = array<i64: 1, 128>}, {transform_indices = @transform_2, window_bounds = array<i64: 1000, 128>}]} {
    %get3A = arith.constant 0 : index
    %get3A_0 = arith.constant 0 : index
    %get3A_1 = arith.constant 0 : index
    %get3A_2 = vector.load %arg1[%get3A, %get3A_0, %get3A_1] : memref<2x1000x128xf32, #tpu.memory_space<vmem>>, vector<1x1000x128xf32>
    %get3A_3 = vector.shape_cast %get3A_2 : vector<1x1000x128xf32> to vector<1000x128xf32>
    %get3A_4 = arith.constant 1 : index
    %get3A_5 = arith.constant 0 : index
    %get3A_6 = arith.constant 0 : index
    %get3A_7 = vector.load %arg1[%get3A_4, %get3A_5, %get3A_6] : memref<2x1000x128xf32, #tpu.memory_space<vmem>>, vector<1x1000x128xf32>
    %get3A_8 = vector.shape_cast %get3A_7 : vector<1x1000x128xf32> to vector<1000x128xf32>
    %add3A = arith.addf %get3A_3, %get3A_8 : vector<1000x128xf32>
    %get3A_9 = arith.constant 0 : index
    %get3A_10 = arith.constant 0 : index
    %get3A_11 = vector.load %arg2[%get3A_9, %get3A_10] : memref<1x128xf32, #tpu.memory_space<vmem>>, vector<1x128xf32>
    %add3A_12 = vector.broadcast %get3A_11 : vector<1x128xf32> to vector<1000x128xf32>
    %add3A_13 = arith.addf %add3A, %add3A_12 : vector<1000x128xf32>
    %swap3A = arith.constant 0 : index
    %swap3A_14 = arith.constant 0 : index
    %swap3A_15 = vector.load %arg3[%swap3A, %swap3A_14] : memref<1000x128xf32, #tpu.memory_space<vmem>>, vector<1000x128xf32>
    tpu.vector_store %arg3[%swap3A, %swap3A_14], %add3A_13 {strides = array<i32>} : memref<1000x128xf32, #tpu.memory_space<vmem>>, vector<1000x128xf32>,
    return
  }
  func.func @transform_0(%arg0: i32) -> (i32, i32, i32) {
    %c0_i32 = arith.constant 0 : i32
    %c0_i32_0 = arith.constant 0 : i32
    %c0_i32_1 = arith.constant 0 : i32
    return %c0_i32, %arg0, %c0_i32_0 : i32, i32, i32
  }
  func.func @transform_1(%arg0: i32) -> (i32, i32) {
    %c0_i32 = arith.constant 0 : i32
    %c0_i32_0 = arith.constant 0 : i32
    %c0_i32_1 = arith.constant 0 : i32
    return %c0_i32, %c0_i32_0 : i32, i32
  }
  func.func @transform_2(%arg0: i32) -> (i32, i32) {
    %c0_i32 = arith.constant 0 : i32
    %c0_i32_0 = arith.constant 0 : i32
    return %arg0, %c0_i32 : i32, i32
  }
}

</mosaic_0001>

<sc_bundles>
// kernel: kernel.5.cloned.1.call-start
scs
__scs_entry_jumppad:
0x0: {  	(pc) =	sbr.rel $0x88, $3  }
0x1: {  	(tag) =	ssettag $0x0;
	lr =	simm.s32 $0x1  }
0x2: {  	[smem:$0x3F9C] =	sst lr;
	_ =	strace $0xD0000000  }
0x3: {  	_ = 	snop  }
0x4: {  	_ = 	snop  }
0x5: {  	_ = 	snop  }
0x6: {  	_ = 	snop  }
0x7: {  	_ = 	snop  }
__scs_overlays_trampoline_lowered:
0x8: {  	[smem:$0x3FAB] =	sst s0  }
0x9: {  	[smem:$0x3FAC] =	sst s1  }
0xa: {  	[smem:$0x3FAD] =	sst s2  }
0xb: {  	[smem:$0x3FAE] =	sst s3  }
0xc: {  	[smem:$0x3FAF] =	sst s4  }
0xd: {  	[smem:$0x3FB0] =	sst s5  }
0xe: {  	[smem:$0x3FB1] =	sst s6  }
0xf: {  	[smem:$0x3FB2] =	sst s7  }
0x10: {  	[smem:$0x3FB3] =	sst s8  }
0x11: {  	[smem:$0x3FB4] =	sst s9;
	s0 =	simm.s32 @!p0 $0x0  }
0x12: {  	s1 =	sld [smem:$0x3F9A];
	s0 =	simm.s32 @p0 $0x1  }
0x13: {  	[smem:$0x3FB5] =	sst s0;
	s0 =	simm.s32 @!p1 $0x0  }
0x14: {  	s2 =	sld [smem:$0x3F99];
	s0 =	simm.s32 @p1 $0x1  }
0x15: {  	[smem:$0x3FB6] =	sst s0;
	s0 =	simm.s32 @!p2 $0x0  }
0x16: {  	s3 =	sld [smem:$0x3FDB];
	s0 =	simm.s32 @p2 $0x1  }
0x17: {  	s4 =	simm.s32 $0x1BF5;
	[smem:$0x3FB8] =	sst s0  }
0x18: {  	s0 =	sld [smem:$0x3F9B];
	_ =	swait.ge [sflag:s4], $0x0  }
0x19: {  	s7 =	sld [smem:$0x3F9C]  }
0x1a: {  	s8 =	sadd.s32 $0xFFFFE003, lr  }
0x1b: {  	s9 =	sadd.s32 $0xFFFFFEF7, lr;
	s5 =	simm.s32 $0xFFFFFFFF;
	p2 =	slt.u32 s8, $0xFFFFF086  }
0x1c: {  	p1 =	slt.u32 s9, $0xF7A;
	s5 =	simm.s32 @!p2 $0x0  }
0x1d: {  	s5 =	simm.s32 @p1 $0x1;
	p0 =	seq.s32 s7, s2  }
0x1e: {  	s7 =	smul.u32 @!p0 $0xF7A, s2;
	p2 =	seq.s32 @!p0 s5, $0x0  }
0x1f: {  	s9 =	smul.u32 $0xF7A, s1;
	s8 =	simm.s32 @!p0 $0x1BF5;
	p2 =	por !p2, p0  }
0x20: {  	[sflag:s8] =	ssyncset.s32 @!p0 $0xFFFFF086;
	s6 =	sadd.s32 @!p0 s3, s7;
	s7 =	simm.s32 @!p0 $0x108  }
0x21: {  	s3 =	sadd.s32 s3, s9;
	s6 =	sadd.s32 @!p0 $0x88, s6;
	s7 =	simm.s32 @p2 $0x1082  }
0x22: {  	[simem:s7], [sflag:s8] =	dma.local @!p0 [hbm:s6], $0xF7A  }
0x23: {  	s9 =	sor.u32 $0xD0000000, s2;
	s6 =	simm.s32 $0x108;
	_ =	swait.ge @!p0 [sflag:s8], $0x0  }
0x24: {  	s3 =	sadd.s32 $0x88, s3;
	s6 =	simm.s32 @!p1 $0x1082;
	[sflag:s4] =	ssyncset.s32 $0xFFFFF086  }
0x25: {  	[simem:s6], [sflag:s4] =	dma.local [hbm:s3], $0xF7A  }
0x26: {  	[smem:$0x3F9C] =	sst s1;
	(tag) =	ssettag s2;
	_ =	strace s9  }
0x27: {  	s1 =	sld [smem:$0x3FAC]  }
0x28: {  	s2 =	sld [smem:$0x3FAD]  }
0x29: {  	s4 =	sld [smem:$0x3FAF]  }
0x2a: {  	p0 =	seq.s32 s5, $0x0;
	s5 =	sld [smem:$0x3FB0]  }
0x2b: {  	s6 =	sld [smem:$0x3FB1]  }
0x2c: {  	s7 =	sld [smem:$0x3FB2]  }
0x2d: {  	s3 =	simm.s32 $0x108;
	s8 =	sld [smem:$0x3FB3]  }
0x2e: {  	s3 =	simm.s32 @!p0 $0x1082;
	s9 =	sld [smem:$0x3FB4]  }
0x2f: {  	lr =	sadd.s32 s0, s3;
	s0 =	sld [smem:$0x3FAB]  }
0x30: {  	s3 =	sld [smem:$0x3FAE]  }
0x31: {  	[smem:$0x3FB7] =	sst s10  }
0x32: {  	s10 =	sld [smem:$0x3FB5];
	_ =	sdelay $0x3  }
0x33: {  	p0 =	seq.s32 s10, $0x1;
	s10 =	sld [smem:$0x3FB7];
	_ =	sdelay $0x3  }
0x34: {  	[smem:$0x3FB7] =	sst s10  }
0x35: {  	s10 =	sld [smem:$0x3FB6];
	_ =	sdelay $0x3  }
0x36: {  	p1 =	seq.s32 s10, $0x1;
	s10 =	sld [smem:$0x3FB7];
	_ =	sdelay $0x3  }
0x37: {  	[smem:$0x3FB7] =	sst s10  }
0x38: {  	s10 =	sld [smem:$0x3FB8]  }
0x39: {  	_ = 	snop;
	(pc) =	sbr.ind lr, $3  }
0x3a: {  	_ = 	snop  }
0x3b: {  	_ = 	snop  }
0x3c: {  	p2 =	seq.s32 s10, $0x1;
	s10 =	sld [smem:$0x3FB7]  }
0x3d: {  	_ =	shalt  }
0x3e: {  	_ =	shalt  }
0x3f: {  	_ =	shalt  }
0x40: {  	_ =	shalt  }
0x41: {  	_ =	shalt  }
0x42: {  	_ =	shalt  }
0x43: {  	_ =	shalt  }
0x44: {  	_ =	shalt  }
0x45: {  	_ =	shalt  }
0x46: {  	_ =	shalt  }
0x47: {  	_ =	shalt  }
0x48: {  	_ =	shalt  }
0x49: {  	_ =	shalt  }
0x4a: {  	_ =	shalt  }
0x4b: {  	_ =	shalt  }
0x4c: {  	_ =	shalt  }
0x4d: {  	_ =	shalt  }
0x4e: {  	_ =	shalt  }
0x4f: {  	_ =	shalt  }
0x50: {  	_ =	shalt  }
0x51: {  	_ =	shalt  }
0x52: {  	_ =	shalt  }
0x53: {  	_ =	shalt  }
0x54: {  	_ =	shalt  }
0x55: {  	_ =	shalt  }
0x56: {  	_ =	shalt  }
0x57: {  	_ =	shalt  }
0x58: {  	_ =	shalt  }
0x59: {  	_ =	shalt  }
0x5a: {  	_ =	shalt  }
0x5b: {  	_ =	shalt  }
0x5c: {  	_ =	shalt  }
0x5d: {  	_ =	shalt  }
0x5e: {  	_ =	shalt  }
0x5f: {  	_ =	shalt  }
0x60: {  	_ =	shalt  }
0x61: {  	_ =	shalt  }
0x62: {  	_ =	shalt  }
0x63: {  	_ =	shalt  }
0x64: {  	_ =	shalt  }
0x65: {  	_ =	shalt  }
0x66: {  	_ =	shalt  }
0x67: {  	_ =	shalt  }
0x68: {  	_ =	shalt  }
0x69: {  	_ =	shalt  }
0x6a: {  	_ =	shalt  }
0x6b: {  	_ =	shalt  }
0x6c: {  	_ =	shalt  }
0x6d: {  	_ =	shalt  }
0x6e: {  	_ =	shalt  }
0x6f: {  	_ =	shalt  }
0x70: {  	_ =	shalt  }
0x71: {  	_ =	shalt  }
0x72: {  	_ =	shalt  }
0x73: {  	_ =	shalt  }
0x74: {  	_ =	shalt  }
0x75: {  	_ =	shalt  }
0x76: {  	_ =	shalt  }
0x77: {  	_ =	shalt  }
0x78: {  	_ =	shalt  }
0x79: {  	_ =	shalt  }
0x7a: {  	_ =	shalt  }
0x7b: {  	_ =	shalt  }
0x7c: {  	_ =	shalt  }
0x7d: {  	_ =	shalt  }
0x7e: {  	_ =	shalt  }
0x7f: {  	_ =	shalt  }
0x80: {  	_ =	shalt  }
0x81: {  	_ =	shalt  }
0x82: {  	_ =	shalt  }
0x83: {  	_ =	shalt  }
0x84: {  	_ =	shalt  }
0x85: {  	_ =	shalt  }
0x86: {  	_ =	shalt  }
0x87: {  	_ =	shalt  }
.Lfunc_end0:
.L_simem_size_0:
called_computation_lowered:
.L_overlay_start_0:
0x88: {  	s2 =	sld [smem:$0x3FD9]  }
0x89: {  	s3 =	sld [smem:$0x3FFE];
	_ =	sdelay $0x1  }
0x8a: {  	s1 =	srdreg.scid  }
0x8b: {  	s0 =	sand.u32 $0x1, s1  }
0x8c: {  	s17 =	sshll.u32 s0, $0xA;
	s2 =	sadd.s32 s3, s2  }
0x8d: {  	s2 =	sadd.s32 s2, s17  }
0x8e: {  	[smem:$0x3FC3] =	sst s2  }
0x8f: {  	_ = 	snop  }
0x90: {  	s2 =	sld [smem:$0x3FD0];
	(tm) =	ssettm $0x1  }
0x91: {  	s18 =	sld [smem:$0x3FFB];
	_ =	sdelay $0x3  }
0x92: {  	_ =	strace s18  }
0x93: {  	s3 =	sld [smem:$0x3FFC];
	_ =	sdelay $0x3  }
0x94: {  	_ =	strace s3  }
0x95: {  	s3 =	sld [smem:$0x3FFD];
	_ =	sdelay $0x3  }
0x96: {  	_ =	strace s3  }
0x97: {  	_ =	strace $0x8FFFFFFF  }
0x98: {  	s19 =	sld [smem:$0x3FDB];
	_ =	sdelay $0x1  }
0x99: {  	s4 =	simm.s32 $_scs_section_size  }
0x9a: {  	s5 =	simm.s32 $_size__tile_overlayer_lowered;
	s6 =	simm.s32 $_tile_overlayer_lowered  }
0x9b: {  	s22 =	simm.s32 $0x1BFF;
	s21 =	sshll.u32 s6, $0x1;
	s3 =	sadd.s32 s4, s19  }
0x9c: {  	s7 =	simm.s32 $0x0;
	s20 =	sshll.u32 s5, $0x1;
	s5 =	sadd.s32 s21, s3  }
0x9d: {  	[timem:s7], [sflag:s22] =	dma.local [hbm:s5], s20  }
0x9e: {  	_ =	swait.ge [sflag:s22], s20  }
0x9f: {  	s4 =	ssub.s32 $0x0, s20;
	[sflag:s22] =	ssyncset.done $0x0  }
0xa0: {  	[sflag:s22] =	ssyncadd.s32 s4;
	_ =	sdelay $0x1  }
0xa1: {  	s23 =	simm.s32 $0x1B8B  }
0xa2: {  	_ =	swait.ge [sflag:s23], $0x1  }
0xa3: {  	[sflag:s23] =	ssyncset.done $0x0  }
0xa4: {  	s25 =	simm.s32 $0x1B8E;
	s24 =	sld [smem:$0x3FFE];
	[sflag:s23] =	ssyncadd.s32 $0xFFFFFFFF  }
0xa5: {  	s26 =	simm.s32 $execute0_lowered;
	[smem:$0x3FD2] =	sst s25  }
0xa6: {  	s5 =	sshll.u32 s26, $0x1;
	_ =	strace $0x80000046;
	[dreg:$0x1] =	wrdreg $0xFFFFFFFF  }
0xa7: {  	s28 =	simm.s32 $_size_execute0_lowered;
	s3 =	sadd.s32 s3, s5;
	[dreg:$0x0] =	wrdreg $0x0  }
0xa8: {  	s5 =	sshll.u32 s28, $0x1;
	[dreg:$0x2] =	wrdreg s3  }
0xa9: {  	[dreg:$0x3] =	wrdreg s5  }
0xaa: {  	[dreg:$0x4] =	wrdreg $0xC0  }
0xab: {  	_ =	task [dreg:s7], $0x5FFFF  }
0xac: {  	[dreg:$0x1] =	wrdreg $0xFFFFFFFF  }
0xad: {  	[dreg:$0x0] =	wrdreg $0x60  }
0xae: {  	[dreg:$0x2] =	wrdreg s2  }
0xaf: {  	[dreg:$0x3] =	wrdreg s24  }
0xb0: {  	[dreg:$0x4] =	wrdreg $0x0  }
0xb1: {  	[dreg:$0x5] =	wrdreg $0x9  }
0xb2: {  	_ =	task.clear_ibuf [dreg:s7], $0x6FFFF;
	_ =	strace $0x90000046  }
0xb3: {  	s29 =	simm.s32 $0x9;
	_ =	strace $0x80000048  }
0xb4: {  	_ =	swait.ge [sflag:s29], $0x1  }
0xb5: {  	[sflag:s29] =	ssyncadd.s32 $0xFFFFFFFF  }
0xb6: {  	_ =	strace $0x90000048  }
0xb7: {  	_ =	sfence  }
0xb8: {  	s30 =	sld [smem:$0x0];
	_ =	sdelay $0x2  }
0xb9: {  	s31 =	sshll.u32 s1, $0xD;
	s1 =	sshrl.u32 s1, $0x2  }
0xba: {  	s3 =	sand.u32 $0x4000, s31;
	s1 =	sadd.s32 s1, s30  }
0xbb: {  	s0 =	sor.u32 s3, s0;
	s1 =	sshll.u32 s1, $0x11  }
0xbc: {  	s0 =	sor.u32 s1, s0  }
0xbd: {  	s0 =	sadd.s32 $0x8F2B, s0  }
0xbe: {  	[sflag:s0] =	ssyncadd.remote.s32 $0x1  }
0xbf: {  	_ =	sfence.sel $0xFFFF  }
0xc0: {  	[dreg:$0x0] =	wrdreg $0xFFFFFFFF;
	(pc) =	sbr.abs _section_cstart, $3  }
0xc1: {  	[dreg:$0x1] =	wrdreg $0xFFFFFFFF  }
0xc2: {  	_ =	task.clear_ibuf [dreg:s7], $0x2FFFF;
	_ =	strace $0x9FFFFFFF  }
0xc3: {  	(tm) =	ssettm $0x7FFFFFFF  }
tec
execute0_lowered:
.L_overlay_start_1:
0x0: {  	(tag) =	ssettag $0x1  }
0x1: {  	s1 =	rddreg [dreg:$0x0]  }
0x2: {  	s0 =	rddreg [dreg:$0x1]  }
0x3: {  	s2 =	rddreg [dreg:$0x2];
	s3 =	srdreg.scid  }
0x4: {  	s14 =	simm.s32 $0x0;
	s11 =	stileid.u32;
	s28 =	simm.s32 $0x40  }
0x5: {  	s29 =	simm.s32 $0x14080;
	s30 =	simm.s32 $0x19000;
	s31 =	simm.s32 $0x14100  }
0x6: {  	s3 =	sand.u32 $0x1, s3;
	[smem:$0x7FF] =	sst s14;
	s8 =	smul.u32 $0x14000, s11  }
0x7: {  	s9 =	smul.u32 $0x50000, s11;
	s5 =	sadd.s32 $0x14E00, s0;
	s6 =	sadd.s32 $0x28E00, s0  }
0x8: {  	s7 =	sadd.s32 $0xE00, s0;
	s23 =	sshll.u32 s11, $0xA;
	s24 =	sshll.u32 s11, $0xC  }
0x9: {  	s11 =	simm.s32 $0x2;
	s4 =	smul.u32 $0x140000, s3;
	_ =	strace $0x80000047  }
0xa: {  	[dreg:$0xf] =	wrdreg s24;
	s25 =	sor.u32 $0x10000, s23;
	s9 =	sshrl.u32 s9, $0x2  }
0xb: {  	s26 =	ssub.s32 $0x2, s3;
	[dreg:$0x10] =	wrdreg s25;
	s15 =	sadd.s32 s9, s2  }
0xc: {  	p0 =	seq.s32 s3, $0x1;
	s12 =	sadd.s32 $0x2000, s15;
	[dreg:$0x5] =	wrdreg s15  }
0xd: {  	s23 =	simm.s32 $0x5;
	s13 =	sadd.s32 $0x4000, s15;
	[dreg:$0x6] =	wrdreg s12  }
0xe: {  	s24 =	simm.s32 $0x14000;
	s16 =	sadd.s32 $0x6000, s15;
	[dreg:$0x7] =	wrdreg s13  }
0xf: {  	s3 =	simm.s32 $0x14180;
	s17 =	sadd.s32 $0x8000, s15;
	[dreg:$0x8] =	wrdreg s16  }
0x10: {  	s10 =	sshrl.u32 s26, $0x1;
	s18 =	sadd.s32 $0xA000, s15;
	[dreg:$0x9] =	wrdreg s17  }
0x11: {  	s4 =	sadd.s32 s8, s4;
	s19 =	sadd.s32 $0xC000, s15;
	[dreg:$0xa] =	wrdreg s18  }
0x12: {  	s10 =	ssub.s32 s26, s10;
	s20 =	sadd.s32 $0xE000, s15;
	[dreg:$0xb] =	wrdreg s19  }
0x13: {  	s9 =	simm.s32 $0x1D000;
	s21 =	sadd.s32 $0x10000, s15;
	[dreg:$0xc] =	wrdreg s20  }
.Ltmp0:
0x14: {  	s22 =	sadd.s32 $0x12000, s15;
	[dreg:$0xd] =	wrdreg s21;
	(pc) =	sbr.rel .LBB2_1-.Ltmp0, $4  }
0x15: {  	s4 =	sshrl.u32 s4, $0x3;
	s26 =	smax.u32 s10, $0x1;
	[dreg:$0xe] =	wrdreg s22  }
0x16: {  	s10 =	simm.s32 $0x1;
	s0 =	sadd.s32 s4, s0;
	[dreg:$0x12] =	wrdreg s26  }
0x17: {  	s22 =	simm.s32 $0x17000;
	s12 =	simm.s32 $0x3;
	s0 =	sadd.s32 $0x3CE00, s0  }
0x18: {  	v0 =	vimm.f32 $0.0e+00;
	s13 =	simm.s32 $0x4;
	[dreg:$0x11] =	wrdreg s0;
	s0 =	simm.s32 $0x1B000  }
.LBB2_28:
0x19: {  	s4 =	stileid.u32;
	[bflag:$0x0] =	sbarrier.arrive $0xFFFF  }
0x1a: {  	s4 =	sshll.u32 s4, $0x6;
	s15 =	rddreg [dreg:$0x5]  }
0x1b: {  	s14 =	rddreg [dreg:$0x11];
	s4 =	sor.u32 $0x1C05, s4;
	s8 =	sshrl.u32 s15, $0x3  }
0x1c: {  	[hbm:s14], [sflag:s4] =	dma.local [spmem:s8], $0x2800  }
0x1d: {  	_ =	swait.ge [sflag:s23], $0x2800  }
0x1e: {  	s25 =	rddreg [dreg:$0x4]  }
0x1f: {  	s26 =	rddreg [dreg:$0x12];
	s14 =	sadd.s32 $0x1, s25  }
0x20: {  	p1 =	sne.s32 s14, s26  }
.Ltmp1:
0x21: {  	_ = 	snop;
	(pc) =	sbr.rel @!p1 .LBB2_29-.Ltmp1, $3  }
0x22: {  	_ =	sdelay $0x1  }
0x23: {  	[sflag:s23] =	ssyncset.done $0x0  }
0x24: {  	[sflag:s23] =	ssyncadd.s32 $0xFFFFD800  }
.LBB2_1:
0x25: {  	[dreg:$0x4] =	wrdreg s14;
	s4 =	simm.s32 $0x0;
	s8 =	simm.s32 $0x200  }
.LBB2_2:
0x26: {  	p1 =	sne.s32 s8, $0x7E00;
	[tilespmem:s4+$0x17070] =	vst v0  }
0x27: {  	[tilespmem:s4+$0x17000] =	vst v0  }
0x28: {  	[tilespmem:s4+$0x17010] =	vst v0  }
.Ltmp2:
0x29: {  	[tilespmem:s4+$0x17020] =	vst v0;
	(pc) =	sbr.rel @p1 .LBB2_2-.Ltmp2, $4  }
0x2a: {  	[tilespmem:s4+$0x17030] =	vst v0  }
0x2b: {  	[tilespmem:s4+$0x17040] =	vst v0  }
0x2c: {  	[tilespmem:s4+$0x17050] =	vst v0  }
0x2d: {  	[tilespmem:s4+$0x17060] =	vst v0;
	s4 =	sshra.s32 s8, $0x2;
	s8 =	sadd.s32 $0x200, s8  }
0x2e: {  	[tilespmem:s4+$0x17070] =	vst v0  }
0x2f: {  	[tilespmem:s4+$0x17000] =	vst v0  }
0x30: {  	[tilespmem:s4+$0x17010] =	vst v0  }
0x31: {  	[tilespmem:s4+$0x17020] =	vst v0  }
0x32: {  	[tilespmem:s4+$0x17030] =	vst v0  }
0x33: {  	[tilespmem:s4+$0x17040] =	vst v0  }
0x34: {  	[tilespmem:s4+$0x17050] =	vst v0  }
0x35: {  	[tilespmem:s4+$0x17060] =	vst v0  }
0x36: {  	[spmem:s15] =	stream.linear.scatter [tilespmem:s22], [sflag:$0x5], $0x2000, $0x38;
	[tilespmem:$0x1F000] =	vst v63  }
0x37: {  	_ =	swait.ge [sflag:s23], $0x2000  }
0x38: {  	[sflag:s23] =	ssyncset.done $0x0  }
0x39: {  	s15 =	rddreg [dreg:$0x6];
	[sflag:s23] =	ssyncadd.s32 $0xFFFFE000  }
0x3a: {  	[spmem:s15] =	stream.linear.scatter [tilespmem:s22], [sflag:$0x5], $0x2000, $0x38;
	[tilespmem:$0x1F000] =	vst v63  }
0x3b: {  	_ =	swait.ge [sflag:s23], $0x2000  }
0x3c: {  	[sflag:s23] =	ssyncset.done $0x0  }
0x3d: {  	s16 =	rddreg [dreg:$0x7];
	[sflag:s23] =	ssyncadd.s32 $0xFFFFE000  }
0x3e: {  	[spmem:s16] =	stream.linear.scatter [tilespmem:s22], [sflag:$0x5], $0x2000, $0x38;
	[tilespmem:$0x1F000] =	vst v63  }
0x3f: {  	_ =	swait.ge [sflag:s23], $0x2000  }
0x40: {  	[sflag:s23] =	ssyncset.done $0x0  }
0x41: {  	s17 =	rddreg [dreg:$0x8];
	[sflag:s23] =	ssyncadd.s32 $0xFFFFE000  }
0x42: {  	[spmem:s17] =	stream.linear.scatter [tilespmem:s22], [sflag:$0x5], $0x2000, $0x38;
	[tilespmem:$0x1F000] =	vst v63  }
0x43: {  	_ =	swait.ge [sflag:s23], $0x2000  }
0x44: {  	[sflag:s23] =	ssyncset.done $0x0  }
0x45: {  	s18 =	rddreg [dreg:$0x9];
	[sflag:s23] =	ssyncadd.s32 $0xFFFFE000  }
0x46: {  	[spmem:s18] =	stream.linear.scatter [tilespmem:s22], [sflag:$0x5], $0x2000, $0x38;
	[tilespmem:$0x1F000] =	vst v63  }
0x47: {  	_ =	swait.ge [sflag:s23], $0x2000  }
0x48: {  	[sflag:s23] =	ssyncset.done $0x0  }
0x49: {  	s19 =	rddreg [dreg:$0xa];
	[sflag:s23] =	ssyncadd.s32 $0xFFFFE000  }
0x4a: {  	[spmem:s19] =	stream.linear.scatter [tilespmem:s22], [sflag:$0x5], $0x2000, $0x38;
	[tilespmem:$0x1F000] =	vst v63  }
0x4b: {  	_ =	swait.ge [sflag:s23], $0x2000  }
0x4c: {  	[sflag:s23] =	ssyncset.done $0x0  }
0x4d: {  	s20 =	rddreg [dreg:$0xb];
	[sflag:s23] =	ssyncadd.s32 $0xFFFFE000  }
0x4e: {  	[spmem:s20] =	stream.linear.scatter [tilespmem:s22], [sflag:$0x5], $0x2000, $0x38;
	[tilespmem:$0x1F000] =	vst v63  }
0x4f: {  	_ =	swait.ge [sflag:s23], $0x2000  }
0x50: {  	[sflag:s23] =	ssyncset.done $0x0  }
0x51: {  	s21 =	rddreg [dreg:$0xc];
	[sflag:s23] =	ssyncadd.s32 $0xFFFFE000  }
0x52: {  	[spmem:s21] =	stream.linear.scatter [tilespmem:s22], [sflag:$0x5], $0x2000, $0x38;
	[tilespmem:$0x1F000] =	vst v63  }
0x53: {  	_ =	swait.ge [sflag:s23], $0x2000  }
0x54: {  	[sflag:s23] =	ssyncset.done $0x0  }
0x55: {  	s25 =	rddreg [dreg:$0xd];
	[sflag:s23] =	ssyncadd.s32 $0xFFFFE000  }
0x56: {  	[spmem:s25] =	stream.linear.scatter [tilespmem:s22], [sflag:$0x5], $0x2000, $0x38;
	[tilespmem:$0x1F000] =	vst v63  }
0x57: {  	_ =	swait.ge [sflag:s23], $0x2000  }
0x58: {  	[sflag:s23] =	ssyncset.done $0x0  }
0x59: {  	s26 =	rddreg [dreg:$0xe];
	[sflag:s23] =	ssyncadd.s32 $0xFFFFE000  }
0x5a: {  	[spmem:s26] =	stream.linear.scatter [tilespmem:s22], [sflag:$0x5], $0x2000, $0x38;
	[tilespmem:$0x1F000] =	vst v63  }
.Ltmp3:
0x5b: {  	_ =	swait.ge [sflag:s23], $0x2000;
	(pc) =	sbr.rel @p0 .LBB2_16-.Ltmp3, $4  }
.Ltmp4:
0x5c: {  	[sflag:s23] =	ssyncset.done $0x0;
	(pc) =	sbr.rel @!p0 .LBB2_4-.Ltmp4, $4  }
0x5d: {  	[sflag:s23] =	ssyncadd.s32 $0xFFFFE000  }
0x5e: {  	s14 =	simm.s32 $0x0;
	[bflag:$0x0] =	sbarrier.arrive $0xFFFF  }
0x5f: {  	p2 =	por $0x1, $0x1;
	s4 =	simm.s32 $0x0;
	s15 =	simm.s32 $0x0  }
0x60: {  	_ = 	snop  }
.LBB2_27:
.Ltmp5:
0x61: {  	(pc) =	sbr.rel @!p1 .LBB2_28-.Ltmp5, $2  }
0x62: {  	_ =	sdelay $0x2  }
0x63: {  	s4 =	simm.s32 $0x200;
	p2 =	por $0x0, $0x0  }
.LBB2_16:
0x64: {  	s8 =	rddreg [dreg:$0x10]  }
0x65: {  	s4 =	sor.u32 s8, s4  }
0x66: {  	s8 =	sadd.s32 s5, s4  }
0x67: {  	[tilespmem:s24], [sflag:$0x5] =	stream.linear.gather [hbm4b:s8+s14], $0x1000, $0x38;
	[tilespmem:$0x1F000] =	vst v63  }
0x68: {  	_ =	swait.ge [sflag:s23], $0x1000  }
0x69: {  	[sflag:s23] =	ssyncset.done $0x0  }
0x6a: {  	s15 =	simm.s32 $0x15000;
	s25 =	sadd.s32 s6, s4;
	[sflag:s23] =	ssyncadd.s32 $0xFFFFF000  }
0x6b: {  	[tilespmem:s15], [sflag:$0x5] =	stream.linear.gather [hbm4b:s25+s14], $0x1000, $0x38;
	[tilespmem:$0x1F000] =	vst v63  }
0x6c: {  	_ =	swait.ge [sflag:s23], $0x1000  }
0x6d: {  	[sflag:s23] =	ssyncset.done $0x0  }
0x6e: {  	s26 =	simm.s32 $0x16000;
	s4 =	sadd.s32 s7, s4;
	[sflag:s23] =	ssyncadd.s32 $0xFFFFF000  }
0x6f: {  	[tilespmem:s26], [sflag:$0x5] =	stream.linear.gather [hbm4b:s4+s14], $0x1000, $0x38;
	[tilespmem:$0x1F000] =	vst v63  }
0x70: {  	_ =	swait.ge [sflag:s23], $0x1000  }
0x71: {  	[sflag:s23] =	ssyncset.done $0x0  }
0x72: {  	[sflag:s23] =	ssyncadd.s32 $0xFFFFF000  }
0x73: {  	[tilespmem:s22], [sflag:$0x1] =	stream.indirect.gather [hbm4b:s1+s28], $0x80, s24, s28, $0xb8;
	[tilespmem:$0x1F000] =	vst v63  }
0x74: {  	_ = 	snop  }
0x75: {  	[tilespmem:s30], [sflag:$0x2] =	stream.indirect.gather [hbm4b:s1+s28], $0x80, s29, s28, $0xb8;
	[tilespmem:$0x1F000] =	vst v63  }
0x76: {  	_ = 	snop  }
0x77: {  	[tilespmem:s0], [sflag:$0x3] =	stream.indirect.gather [hbm4b:s1+s28], $0x80, s31, s28, $0xb8;
	[tilespmem:$0x1F000] =	vst v63  }
0x78: {  	p1 =	por p2, p2;
	s15 =	simm.s32 $0x0  }
0x79: {  	[tilespmem:s9], [sflag:$0x4] =	stream.indirect.gather [hbm4b:s1+s28], $0x80, s3, s28, $0xb8;
	[tilespmem:$0x1F000] =	vst v63  }
.LBB2_17:
0x7a: {  	_ =	swait.ge [sflag:s10], $0x2000;
	s4 =	simm.s32 $0x0  }
0x7b: {  	[sflag:s10] =	ssyncset.done $0x0;
	v1 =	vmov s4  }
0x7c: {  	s8 =	simm.s32 $0x17040;
	[sflag:s10] =	ssyncadd.s32 $0xFFFFE000  }
0x7d: {  	s17 =	sshll.u32 s15, $0xB;
	v5 =	vld [tilespmem:s8+$0x30]  }
0x7e: {  	s16 =	sshra.s32 s17, $0x2;
	v8 =	vld [tilespmem:s8+$0x10]  }
0x7f: {  	s4 =	sadd.s32 $0x16000, s16;
	v6 =	vld [tilespmem:s8+$0xFFFFFFC0]  }
0x80: {  	v2 =	vld.idx.msk [tilespmem:v1+s4+$0x0], $0xffff  }
0x81: {  	v10 =	vld [tilespmem:s8+$0xFFFFFFE0]  }
0x82: {  	v3 =	vld [tilespmem:s8+$0x20]  }
0x83: {  	v4 =	vld [tilespmem:s8+$0xFFFFFFD0]  }
0x84: {  	v1 =	vld [tilespmem:s8+$0xFFFFFFF0]  }
0x85: {  	v9 =	vmul.f32 v5, v2;
	v5 =	vld [tilespmem:s8+$0x0]  }
0x86: {  	v7 =	vmul.f32 v6, v2  }
0x87: {  	s18 =	simm.s32 $0x1;
	s19 =	simm.s32 $0x17040;
	v6 =	vmul.f32 v10, v2;
	v8 =	vmul.f32 v8, v2  }
.LBB2_18:
0x88: {  	p2 =	sne.s32 s18, $0x3F  }
0x89: {  	v4 =	vmul.f32 v4, v2;
	v3 =	vmul.f32 v3, v2;
	[tilespmem:s8+$0x30] =	vst v9;
	s19 =	sadd.s32 $0x80, s19;
	s20 =	smov.u32 s18;
	s18 =	sadd.s32 $0x1, s18  }
0x8a: {  	[tilespmem:s8+$0xFFFFFFC0] =	vst v7;
	v7 =	vmul.f32 v1, v2;
	v2 =	vmul.f32 v5, v2  }
0x8b: {  	[tilespmem:s8+$0x10] =	vst v8  }
0x8c: {  	v5 =	vmov s20;
	[tilespmem:s8+$0xFFFFFFE0] =	vst v6  }
0x8d: {  	v1 =	vld [tilespmem:s19+$0xFFFFFFF0];
	[tilespmem:s8+$0xFFFFFFF0] =	vst v7  }
0x8e: {  	v6 =	vld [tilespmem:s19+$0x30];
	[tilespmem:s8+$0x0] =	vst v2  }
0x8f: {  	v8 =	vld [tilespmem:s19+$0x10];
	[tilespmem:s8+$0x20] =	vst v3  }
0x90: {  	v7 =	vld [tilespmem:s19+$0xFFFFFFC0];
	[tilespmem:s8+$0xFFFFFFD0] =	vst v4;
	s8 =	smov.u32 s19  }
0x91: {  	v2 =	vld.idx.msk [tilespmem:v5+s4+$0x0], $0xffff  }
0x92: {  	v10 =	vld [tilespmem:s19+$0xFFFFFFE0]  }
0x93: {  	v3 =	vld [tilespmem:s19+$0x20]  }
.Ltmp6:
0x94: {  	v4 =	vld [tilespmem:s19+$0xFFFFFFD0];
	(pc) =	sbr.rel @p2 .LBB2_18-.Ltmp6, $3  }
0x95: {  	v5 =	vld [tilespmem:s19+$0x0];
	_ =	sdelay $0x1  }
0x96: {  	v7 =	vmul.f32 v7, v2;
	v9 =	vmul.f32 v6, v2  }
0x97: {  	v8 =	vmul.f32 v8, v2;
	v6 =	vmul.f32 v10, v2  }
0x98: {  	[tilespmem:s8+$0x30] =	vst v9  }
0x99: {  	[tilespmem:s8+$0xFFFFFFC0] =	vst v7  }
0x9a: {  	v1 =	vmul.f32 v1, v2;
	[tilespmem:s8+$0x10] =	vst v8  }
0x9b: {  	v3 =	vmul.f32 v3, v2;
	[tilespmem:s8+$0xFFFFFFE0] =	vst v6  }
0x9c: {  	v5 =	vmul.f32 v5, v2;
	[tilespmem:s8+$0xFFFFFFF0] =	vst v1  }
0x9d: {  	v1 =	vmul.f32 v4, v2;
	[tilespmem:s8+$0x20] =	vst v3  }
0x9e: {  	[tilespmem:s8+$0x0] =	vst v5  }
0x9f: {  	s4 =	sadd.s32 $0x15000, s16;
	[tilespmem:s8+$0xFFFFFFD0] =	vst v1  }
0xa0: {  	[spmem:s2] =	stream.indirect.scatter.add.f32 [tilespmem:s22], [sflag:$0x5], $0x80, s4, s28, $0xb8;
	[tilespmem:$0x1F000] =	vst v63  }
0xa1: {  	p2 =	seq.s32 s15, $0x7;
	_ =	swait.ge [sflag:s23], $0x2000  }
0xa2: {  	s20 =	sshra.s32 @!p2 s17, $0x2;
	s18 =	simm.s32 @!p2 $0x17000;
	[sflag:s23] =	ssyncset.done $0x0  }
0xa3: {  	s8 =	simm.s32 @!p2 $0x40;
	s4 =	sadd.s32 @!p2 $0x14200, s20;
	[sflag:s23] =	ssyncadd.s32 $0xFFFFE000  }
0xa4: {  	[tilespmem:s18], [sflag:$0x1] =	stream.indirect.gather @!p2 [hbm4b:s1+s8], $0x80, s4, s8, $0xb8;
	[tilespmem:$0x1F000] =	vst v63  }
0xa5: {  	s25 =	simm.s32 $0x0;
	_ =	swait.ge [sflag:s11], $0x2000  }
0xa6: {  	v1 =	vmov s25;
	[sflag:s11] =	ssyncset.done $0x0  }
0xa7: {  	s8 =	simm.s32 $0x19040;
	[sflag:s11] =	ssyncadd.s32 $0xFFFFE000  }
0xa8: {  	s26 =	sor.u32 $0x200, s17;
	v5 =	vld [tilespmem:s8+$0x30]  }
0xa9: {  	s4 =	sshra.s32 s26, $0x2;
	v8 =	vld [tilespmem:s8+$0x10]  }
0xaa: {  	s18 =	sadd.s32 $0x16000, s4;
	v6 =	vld [tilespmem:s8+$0xFFFFFFC0]  }
0xab: {  	v2 =	vld.idx.msk [tilespmem:v1+s18+$0x0], $0xffff  }
0xac: {  	v10 =	vld [tilespmem:s8+$0xFFFFFFE0]  }
0xad: {  	v1 =	vld [tilespmem:s8+$0xFFFFFFF0]  }
0xae: {  	v3 =	vld [tilespmem:s8+$0x20]  }
0xaf: {  	v4 =	vld [tilespmem:s8+$0xFFFFFFD0]  }
0xb0: {  	v9 =	vmul.f32 v5, v2;
	v5 =	vld [tilespmem:s8+$0x0]  }
0xb1: {  	v7 =	vmul.f32 v6, v2  }
0xb2: {  	s19 =	simm.s32 $0x1;
	s21 =	simm.s32 $0x19040;
	v6 =	vmul.f32 v10, v2;
	v8 =	vmul.f32 v8, v2  }
.LBB2_20:
0xb3: {  	p3 =	sne.s32 s19, $0x3F  }
0xb4: {  	v4 =	vmul.f32 v4, v2;
	v3 =	vmul.f32 v3, v2;
	[tilespmem:s8+$0x30] =	vst v9;
	s21 =	sadd.s32 $0x80, s21;
	s25 =	smov.u32 s19;
	s19 =	sadd.s32 $0x1, s19  }
0xb5: {  	[tilespmem:s8+$0xFFFFFFC0] =	vst v7;
	v7 =	vmul.f32 v1, v2;
	v2 =	vmul.f32 v5, v2  }
0xb6: {  	[tilespmem:s8+$0x10] =	vst v8  }
0xb7: {  	v5 =	vmov s25;
	[tilespmem:s8+$0xFFFFFFE0] =	vst v6  }
0xb8: {  	v1 =	vld [tilespmem:s21+$0xFFFFFFF0];
	[tilespmem:s8+$0xFFFFFFF0] =	vst v7  }
0xb9: {  	v6 =	vld [tilespmem:s21+$0x30];
	[tilespmem:s8+$0x0] =	vst v2  }
0xba: {  	v8 =	vld [tilespmem:s21+$0x10];
	[tilespmem:s8+$0x20] =	vst v3  }
0xbb: {  	v7 =	vld [tilespmem:s21+$0xFFFFFFC0];
	[tilespmem:s8+$0xFFFFFFD0] =	vst v4;
	s8 =	smov.u32 s21  }
0xbc: {  	v2 =	vld.idx.msk [tilespmem:v5+s18+$0x0], $0xffff  }
0xbd: {  	v10 =	vld [tilespmem:s21+$0xFFFFFFE0]  }
0xbe: {  	v3 =	vld [tilespmem:s21+$0x20]  }
.Ltmp7:
0xbf: {  	v4 =	vld [tilespmem:s21+$0xFFFFFFD0];
	(pc) =	sbr.rel @p3 .LBB2_20-.Ltmp7, $3  }
0xc0: {  	v5 =	vld [tilespmem:s21+$0x0];
	_ =	sdelay $0x1  }
0xc1: {  	v7 =	vmul.f32 v7, v2;
	v9 =	vmul.f32 v6, v2  }
0xc2: {  	v8 =	vmul.f32 v8, v2;
	v6 =	vmul.f32 v10, v2  }
0xc3: {  	[tilespmem:s8+$0x30] =	vst v9  }
0xc4: {  	[tilespmem:s8+$0xFFFFFFC0] =	vst v7  }
0xc5: {  	v1 =	vmul.f32 v1, v2;
	[tilespmem:s8+$0x10] =	vst v8  }
0xc6: {  	v3 =	vmul.f32 v3, v2;
	[tilespmem:s8+$0xFFFFFFE0] =	vst v6  }
0xc7: {  	v5 =	vmul.f32 v5, v2;
	[tilespmem:s8+$0xFFFFFFF0] =	vst v1  }
0xc8: {  	v1 =	vmul.f32 v4, v2;
	[tilespmem:s8+$0x20] =	vst v3  }
0xc9: {  	[tilespmem:s8+$0x0] =	vst v5  }
0xca: {  	s4 =	sadd.s32 $0x15000, s4;
	[tilespmem:s8+$0xFFFFFFD0] =	vst v1  }
0xcb: {  	[spmem:s2] =	stream.indirect.scatter.add.f32 [tilespmem:s30], [sflag:$0x5], $0x80, s4, s28, $0xb8;
	[tilespmem:$0x1F000] =	vst v63  }
0xcc: {  	_ =	swait.ge [sflag:s23], $0x2000  }
0xcd: {  	s18 =	simm.s32 @!p2 $0x19000;
	[sflag:s23] =	ssyncset.done $0x0  }
0xce: {  	s8 =	simm.s32 @!p2 $0x40;
	s4 =	sadd.s32 @!p2 $0x14280, s20;
	[sflag:s23] =	ssyncadd.s32 $0xFFFFE000  }
0xcf: {  	[tilespmem:s18], [sflag:$0x2] =	stream.indirect.gather @!p2 [hbm4b:s1+s8], $0x80, s4, s8, $0xb8;
	[tilespmem:$0x1F000] =	vst v63  }
0xd0: {  	s25 =	simm.s32 $0x0;
	_ =	swait.ge [sflag:s12], $0x2000  }
0xd1: {  	v1 =	vmov s25;
	[sflag:s12] =	ssyncset.done $0x0  }
0xd2: {  	s8 =	simm.s32 $0x1B040;
	[sflag:s12] =	ssyncadd.s32 $0xFFFFE000  }
0xd3: {  	s26 =	sor.u32 $0x400, s17;
	v5 =	vld [tilespmem:s8+$0x30]  }
0xd4: {  	s4 =	sshra.s32 s26, $0x2;
	v8 =	vld [tilespmem:s8+$0x10]  }
0xd5: {  	s18 =	sadd.s32 $0x16000, s4;
	v6 =	vld [tilespmem:s8+$0xFFFFFFC0]  }
0xd6: {  	v2 =	vld.idx.msk [tilespmem:v1+s18+$0x0], $0xffff  }
0xd7: {  	v10 =	vld [tilespmem:s8+$0xFFFFFFE0]  }
0xd8: {  	v1 =	vld [tilespmem:s8+$0xFFFFFFF0]  }
0xd9: {  	v3 =	vld [tilespmem:s8+$0x20]  }
0xda: {  	v4 =	vld [tilespmem:s8+$0xFFFFFFD0]  }
0xdb: {  	v9 =	vmul.f32 v5, v2;
	v5 =	vld [tilespmem:s8+$0x0]  }
0xdc: {  	v7 =	vmul.f32 v6, v2  }
0xdd: {  	s19 =	simm.s32 $0x1;
	s21 =	simm.s32 $0x1B040;
	v6 =	vmul.f32 v10, v2;
	v8 =	vmul.f32 v8, v2  }
.LBB2_22:
0xde: {  	p3 =	sne.s32 s19, $0x3F  }
0xdf: {  	v4 =	vmul.f32 v4, v2;
	v3 =	vmul.f32 v3, v2;
	[tilespmem:s8+$0x30] =	vst v9;
	s21 =	sadd.s32 $0x80, s21;
	s25 =	smov.u32 s19;
	s19 =	sadd.s32 $0x1, s19  }
0xe0: {  	[tilespmem:s8+$0xFFFFFFC0] =	vst v7;
	v7 =	vmul.f32 v1, v2;
	v2 =	vmul.f32 v5, v2  }
0xe1: {  	[tilespmem:s8+$0x10] =	vst v8  }
0xe2: {  	v5 =	vmov s25;
	[tilespmem:s8+$0xFFFFFFE0] =	vst v6  }
0xe3: {  	v1 =	vld [tilespmem:s21+$0xFFFFFFF0];
	[tilespmem:s8+$0xFFFFFFF0] =	vst v7  }
0xe4: {  	v6 =	vld [tilespmem:s21+$0x30];
	[tilespmem:s8+$0x0] =	vst v2  }
0xe5: {  	v8 =	vld [tilespmem:s21+$0x10];
	[tilespmem:s8+$0x20] =	vst v3  }
0xe6: {  	v7 =	vld [tilespmem:s21+$0xFFFFFFC0];
	[tilespmem:s8+$0xFFFFFFD0] =	vst v4;
	s8 =	smov.u32 s21  }
0xe7: {  	v2 =	vld.idx.msk [tilespmem:v5+s18+$0x0], $0xffff  }
0xe8: {  	v10 =	vld [tilespmem:s21+$0xFFFFFFE0]  }
0xe9: {  	v3 =	vld [tilespmem:s21+$0x20]  }
.Ltmp8:
0xea: {  	v4 =	vld [tilespmem:s21+$0xFFFFFFD0];
	(pc) =	sbr.rel @p3 .LBB2_22-.Ltmp8, $3  }
0xeb: {  	v5 =	vld [tilespmem:s21+$0x0];
	_ =	sdelay $0x1  }
0xec: {  	v7 =	vmul.f32 v7, v2;
	v9 =	vmul.f32 v6, v2  }
0xed: {  	v8 =	vmul.f32 v8, v2;
	v6 =	vmul.f32 v10, v2  }
0xee: {  	[tilespmem:s8+$0x30] =	vst v9  }
0xef: {  	[tilespmem:s8+$0xFFFFFFC0] =	vst v7  }
0xf0: {  	v1 =	vmul.f32 v1, v2;
	[tilespmem:s8+$0x10] =	vst v8  }
0xf1: {  	v3 =	vmul.f32 v3, v2;
	[tilespmem:s8+$0xFFFFFFE0] =	vst v6  }
0xf2: {  	v5 =	vmul.f32 v5, v2;
	[tilespmem:s8+$0xFFFFFFF0] =	vst v1  }
0xf3: {  	v1 =	vmul.f32 v4, v2;
	[tilespmem:s8+$0x20] =	vst v3  }
0xf4: {  	[tilespmem:s8+$0x0] =	vst v5  }
0xf5: {  	s4 =	sadd.s32 $0x15000, s4;
	[tilespmem:s8+$0xFFFFFFD0] =	vst v1  }
0xf6: {  	[spmem:s2] =	stream.indirect.scatter.add.f32 [tilespmem:s0], [sflag:$0x5], $0x80, s4, s28, $0xb8;
	[tilespmem:$0x1F000] =	vst v63  }
0xf7: {  	_ =	swait.ge [sflag:s23], $0x2000  }
0xf8: {  	s18 =	simm.s32 @!p2 $0x1B000;
	[sflag:s23] =	ssyncset.done $0x0  }
0xf9: {  	s8 =	simm.s32 @!p2 $0x40;
	s4 =	sadd.s32 @!p2 $0x14300, s20;
	[sflag:s23] =	ssyncadd.s32 $0xFFFFE000  }
0xfa: {  	[tilespmem:s18], [sflag:$0x3] =	stream.indirect.gather @!p2 [hbm4b:s1+s8], $0x80, s4, s8, $0xb8;
	[tilespmem:$0x1F000] =	vst v63  }
0xfb: {  	s25 =	simm.s32 $0x0;
	_ =	swait.ge [sflag:s13], $0x2000  }
0xfc: {  	v1 =	vmov s25;
	[sflag:s13] =	ssyncset.done $0x0  }
0xfd: {  	s8 =	simm.s32 $0x1D040;
	[sflag:s13] =	ssyncadd.s32 $0xFFFFE000  }
0xfe: {  	s26 =	sor.u32 $0x600, s17;
	v5 =	vld [tilespmem:s8+$0x30]  }
0xff: {  	s4 =	sshra.s32 s26, $0x2;
	v8 =	vld [tilespmem:s8+$0x10]  }
0x100: {  	s17 =	sadd.s32 $0x16000, s4;
	v6 =	vld [tilespmem:s8+$0xFFFFFFC0]  }
0x101: {  	v2 =	vld.idx.msk [tilespmem:v1+s17+$0x0], $0xffff  }
0x102: {  	v10 =	vld [tilespmem:s8+$0xFFFFFFE0]  }
0x103: {  	v1 =	vld [tilespmem:s8+$0xFFFFFFF0]  }
0x104: {  	v3 =	vld [tilespmem:s8+$0x20]  }
0x105: {  	v4 =	vld [tilespmem:s8+$0xFFFFFFD0]  }
0x106: {  	v9 =	vmul.f32 v5, v2;
	v5 =	vld [tilespmem:s8+$0x0]  }
0x107: {  	v7 =	vmul.f32 v6, v2  }
0x108: {  	s19 =	simm.s32 $0x1D040;
	s18 =	simm.s32 $0x1;
	v6 =	vmul.f32 v10, v2;
	v8 =	vmul.f32 v8, v2  }
.LBB2_24:
0x109: {  	p3 =	sne.s32 s18, $0x3F  }
0x10a: {  	v4 =	vmul.f32 v4, v2;
	v3 =	vmul.f32 v3, v2;
	[tilespmem:s8+$0x30] =	vst v9;
	s19 =	sadd.s32 $0x80, s19;
	s20 =	smov.u32 s18;
	s18 =	sadd.s32 $0x1, s18  }
0x10b: {  	[tilespmem:s8+$0xFFFFFFC0] =	vst v7;
	v7 =	vmul.f32 v1, v2;
	v2 =	vmul.f32 v5, v2  }
0x10c: {  	[tilespmem:s8+$0x10] =	vst v8  }
0x10d: {  	v5 =	vmov s20;
	[tilespmem:s8+$0xFFFFFFE0] =	vst v6  }
0x10e: {  	v1 =	vld [tilespmem:s19+$0xFFFFFFF0];
	[tilespmem:s8+$0xFFFFFFF0] =	vst v7  }
0x10f: {  	v6 =	vld [tilespmem:s19+$0x30];
	[tilespmem:s8+$0x0] =	vst v2  }
0x110: {  	v8 =	vld [tilespmem:s19+$0x10];
	[tilespmem:s8+$0x20] =	vst v3  }
0x111: {  	v7 =	vld [tilespmem:s19+$0xFFFFFFC0];
	[tilespmem:s8+$0xFFFFFFD0] =	vst v4;
	s8 =	smov.u32 s19  }
0x112: {  	v2 =	vld.idx.msk [tilespmem:v5+s17+$0x0], $0xffff  }
0x113: {  	v10 =	vld [tilespmem:s19+$0xFFFFFFE0]  }
0x114: {  	v3 =	vld [tilespmem:s19+$0x20]  }
.Ltmp9:
0x115: {  	v4 =	vld [tilespmem:s19+$0xFFFFFFD0];
	(pc) =	sbr.rel @p3 .LBB2_24-.Ltmp9, $3  }
0x116: {  	v5 =	vld [tilespmem:s19+$0x0];
	_ =	sdelay $0x1  }
0x117: {  	v7 =	vmul.f32 v7, v2;
	v9 =	vmul.f32 v6, v2  }
0x118: {  	v8 =	vmul.f32 v8, v2;
	v6 =	vmul.f32 v10, v2  }
0x119: {  	[tilespmem:s8+$0x30] =	vst v9  }
0x11a: {  	[tilespmem:s8+$0xFFFFFFC0] =	vst v7  }
0x11b: {  	v1 =	vmul.f32 v1, v2;
	[tilespmem:s8+$0x10] =	vst v8  }
0x11c: {  	v3 =	vmul.f32 v3, v2;
	[tilespmem:s8+$0xFFFFFFE0] =	vst v6  }
0x11d: {  	v5 =	vmul.f32 v5, v2;
	[tilespmem:s8+$0xFFFFFFF0] =	vst v1  }
0x11e: {  	v1 =	vmul.f32 v4, v2;
	[tilespmem:s8+$0x20] =	vst v3  }
0x11f: {  	[tilespmem:s8+$0x0] =	vst v5  }
.Ltmp10:
0x120: {  	s4 =	sadd.s32 $0x15000, s4;
	[tilespmem:s8+$0xFFFFFFD0] =	vst v1;
	(pc) =	sbr.rel @p2 .LBB2_27-.Ltmp10, $4  }
0x121: {  	[spmem:s2] =	stream.indirect.scatter.add.f32 [tilespmem:s9], [sflag:$0x5], $0x80, s4, s28, $0xb8;
	[tilespmem:$0x1F000] =	vst v63  }
0x122: {  	_ =	swait.ge [sflag:s23], $0x2000  }
0x123: {  	[sflag:s23] =	ssyncset.done $0x0  }
0x124: {  	[sflag:s23] =	ssyncadd.s32 $0xFFFFE000  }
.Ltmp11:
0x125: {  	(pc) =	sbr.rel .LBB2_17-.Ltmp11, $3  }
0x126: {  	_ =	sdelay $0x1  }
0x127: {  	s4 =	sadd.s32 $0x14380, s16;
	s15 =	sadd.s32 $0x1, s15  }
0x128: {  	[tilespmem:s9], [sflag:$0x4] =	stream.indirect.gather [hbm4b:s1+s28], $0x80, s4, s28, $0xb8;
	[tilespmem:$0x1F000] =	vst v63  }
.LBB2_15:
0x129: {  	s15 =	sadd.s32 $0x1, s15  }
0x12a: {  	p1 =	seq.s32 s15, $0x8  }
.Ltmp12:
0x12b: {  	_ = 	snop;
	(pc) =	sbr.rel @p1 .LBB2_28-.Ltmp12, $1  }
0x12c: {  	_ =	sdelay $0x3  }
.LBB2_4:
0x12d: {  	s4 =	sshll.u32 s15, $0x9;
	s8 =	rddreg [dreg:$0xf]  }
0x12e: {  	s4 =	sadd.s32 s8, s4  }
0x12f: {  	s8 =	sadd.s32 s5, s4  }
0x130: {  	[tilespmem:s24], [sflag:$0x5] =	stream.linear.gather [hbm4b:s8+s14], $0x1000, $0x38;
	[tilespmem:$0x1F000] =	vst v63  }
0x131: {  	_ =	swait.ge [sflag:s23], $0x1000  }
0x132: {  	[sflag:s23] =	ssyncset.done $0x0  }
0x133: {  	s16 =	simm.s32 $0x15000;
	s25 =	sadd.s32 s6, s4;
	[sflag:s23] =	ssyncadd.s32 $0xFFFFF000  }
0x134: {  	[tilespmem:s16], [sflag:$0x5] =	stream.linear.gather [hbm4b:s25+s14], $0x1000, $0x38;
	[tilespmem:$0x1F000] =	vst v63  }
0x135: {  	_ =	swait.ge [sflag:s23], $0x1000  }
0x136: {  	[sflag:s23] =	ssyncset.done $0x0  }
0x137: {  	s26 =	simm.s32 $0x16000;
	s4 =	sadd.s32 s7, s4;
	[sflag:s23] =	ssyncadd.s32 $0xFFFFF000  }
0x138: {  	[tilespmem:s26], [sflag:$0x5] =	stream.linear.gather [hbm4b:s4+s14], $0x1000, $0x38;
	[tilespmem:$0x1F000] =	vst v63  }
0x139: {  	_ =	swait.ge [sflag:s23], $0x1000  }
0x13a: {  	[sflag:s23] =	ssyncset.done $0x0  }
0x13b: {  	[sflag:s23] =	ssyncadd.s32 $0xFFFFF000  }
0x13c: {  	[tilespmem:s22], [sflag:$0x1] =	stream.indirect.gather [hbm4b:s1+s28], $0x80, s24, s28, $0xb8;
	[tilespmem:$0x1F000] =	vst v63  }
0x13d: {  	_ = 	snop  }
0x13e: {  	[tilespmem:s30], [sflag:$0x2] =	stream.indirect.gather [hbm4b:s1+s28], $0x80, s29, s28, $0xb8;
	[tilespmem:$0x1F000] =	vst v63  }
0x13f: {  	_ = 	snop  }
0x140: {  	[tilespmem:s0], [sflag:$0x3] =	stream.indirect.gather [hbm4b:s1+s28], $0x80, s31, s28, $0xb8;
	[tilespmem:$0x1F000] =	vst v63  }
0x141: {  	s16 =	simm.s32 $0x0  }
0x142: {  	[tilespmem:s9], [sflag:$0x4] =	stream.indirect.gather [hbm4b:s1+s28], $0x80, s3, s28, $0xb8;
	[tilespmem:$0x1F000] =	vst v63  }
.LBB2_5:
0x143: {  	_ =	swait.ge [sflag:s10], $0x2000;
	s4 =	simm.s32 $0x0  }
0x144: {  	[sflag:s10] =	ssyncset.done $0x0;
	v1 =	vmov s4  }
0x145: {  	s21 =	simm.s32 $0x17040;
	[sflag:s10] =	ssyncadd.s32 $0xFFFFE000  }
0x146: {  	s20 =	sshll.u32 s16, $0xB;
	v5 =	vld [tilespmem:s21+$0x30]  }
0x147: {  	s17 =	sshra.s32 s20, $0x2;
	v8 =	vld [tilespmem:s21+$0x10]  }
0x148: {  	s4 =	sadd.s32 $0x16000, s17;
	v6 =	vld [tilespmem:s21+$0xFFFFFFC0]  }
0x149: {  	v2 =	vld.idx.msk [tilespmem:v1+s4+$0x0], $0xffff  }
0x14a: {  	v10 =	vld [tilespmem:s21+$0xFFFFFFE0]  }
0x14b: {  	v3 =	vld [tilespmem:s21+$0x20]  }
0x14c: {  	v4 =	vld [tilespmem:s21+$0xFFFFFFD0]  }
0x14d: {  	v1 =	vld [tilespmem:s21+$0xFFFFFFF0]  }
0x14e: {  	v9 =	vmul.f32 v5, v2;
	v5 =	vld [tilespmem:s21+$0x0]  }
0x14f: {  	v7 =	vmul.f32 v6, v2  }
0x150: {  	s8 =	simm.s32 $0x1;
	s18 =	simm.s32 $0x17040;
	v6 =	vmul.f32 v10, v2;
	v8 =	vmul.f32 v8, v2  }
.LBB2_6:
0x151: {  	p1 =	sne.s32 s8, $0x3F  }
0x152: {  	v4 =	vmul.f32 v4, v2;
	v3 =	vmul.f32 v3, v2;
	[tilespmem:s21+$0x30] =	vst v9;
	s18 =	sadd.s32 $0x80, s18;
	s19 =	smov.u32 s8;
	s8 =	sadd.s32 $0x1, s8  }
0x153: {  	[tilespmem:s21+$0xFFFFFFC0] =	vst v7;
	v7 =	vmul.f32 v1, v2;
	v2 =	vmul.f32 v5, v2  }
0x154: {  	[tilespmem:s21+$0x10] =	vst v8  }
0x155: {  	v5 =	vmov s19;
	[tilespmem:s21+$0xFFFFFFE0] =	vst v6  }
0x156: {  	v1 =	vld [tilespmem:s18+$0xFFFFFFF0];
	[tilespmem:s21+$0xFFFFFFF0] =	vst v7  }
0x157: {  	v6 =	vld [tilespmem:s18+$0x30];
	[tilespmem:s21+$0x0] =	vst v2  }
0x158: {  	v8 =	vld [tilespmem:s18+$0x10];
	[tilespmem:s21+$0x20] =	vst v3  }
0x159: {  	v7 =	vld [tilespmem:s18+$0xFFFFFFC0];
	[tilespmem:s21+$0xFFFFFFD0] =	vst v4;
	s21 =	smov.u32 s18  }
0x15a: {  	v2 =	vld.idx.msk [tilespmem:v5+s4+$0x0], $0xffff  }
0x15b: {  	v10 =	vld [tilespmem:s18+$0xFFFFFFE0]  }
0x15c: {  	v3 =	vld [tilespmem:s18+$0x20]  }
.Ltmp13:
0x15d: {  	v4 =	vld [tilespmem:s18+$0xFFFFFFD0];
	(pc) =	sbr.rel @p1 .LBB2_6-.Ltmp13, $3  }
0x15e: {  	v5 =	vld [tilespmem:s18+$0x0];
	_ =	sdelay $0x1  }
0x15f: {  	v7 =	vmul.f32 v7, v2;
	v9 =	vmul.f32 v6, v2  }
0x160: {  	v8 =	vmul.f32 v8, v2;
	v6 =	vmul.f32 v10, v2  }
0x161: {  	[tilespmem:s21+$0x30] =	vst v9  }
0x162: {  	[tilespmem:s21+$0xFFFFFFC0] =	vst v7  }
0x163: {  	v1 =	vmul.f32 v1, v2;
	[tilespmem:s21+$0x10] =	vst v8  }
0x164: {  	v3 =	vmul.f32 v3, v2;
	[tilespmem:s21+$0xFFFFFFE0] =	vst v6  }
0x165: {  	v5 =	vmul.f32 v5, v2;
	[tilespmem:s21+$0xFFFFFFF0] =	vst v1  }
0x166: {  	v1 =	vmul.f32 v4, v2;
	[tilespmem:s21+$0x20] =	vst v3  }
0x167: {  	[tilespmem:s21+$0x0] =	vst v5  }
0x168: {  	s4 =	sadd.s32 $0x15000, s17;
	[tilespmem:s21+$0xFFFFFFD0] =	vst v1  }
0x169: {  	[spmem:s2] =	stream.indirect.scatter.add.f32 [tilespmem:s22], [sflag:$0x5], $0x80, s4, s28, $0xb8;
	[tilespmem:$0x1F000] =	vst v63  }
0x16a: {  	p1 =	seq.s32 s16, $0x7;
	_ =	swait.ge [sflag:s23], $0x2000  }
0x16b: {  	s8 =	simm.s32 @!p1 $0x40;
	s21 =	sshra.s32 @!p1 s20, $0x2;
	[sflag:s23] =	ssyncset.done $0x0  }
0x16c: {  	s18 =	simm.s32 @!p1 $0x17000;
	s4 =	sadd.s32 @!p1 $0x14200, s21;
	[sflag:s23] =	ssyncadd.s32 $0xFFFFE000  }
0x16d: {  	[tilespmem:s18], [sflag:$0x1] =	stream.indirect.gather @!p1 [hbm4b:s1+s8], $0x80, s4, s8, $0xb8;
	[tilespmem:$0x1F000] =	vst v63  }
0x16e: {  	s25 =	simm.s32 $0x0;
	_ =	swait.ge [sflag:s11], $0x2000  }
0x16f: {  	v1 =	vmov s25;
	[sflag:s11] =	ssyncset.done $0x0  }
0x170: {  	s8 =	simm.s32 $0x19040;
	[sflag:s11] =	ssyncadd.s32 $0xFFFFE000  }
0x171: {  	s26 =	sor.u32 $0x200, s20;
	v5 =	vld [tilespmem:s8+$0x30]  }
0x172: {  	s4 =	sshra.s32 s26, $0x2;
	v8 =	vld [tilespmem:s8+$0x10]  }
0x173: {  	s18 =	sadd.s32 $0x16000, s4;
	v6 =	vld [tilespmem:s8+$0xFFFFFFC0]  }
0x174: {  	v2 =	vld.idx.msk [tilespmem:v1+s18+$0x0], $0xffff  }
0x175: {  	v10 =	vld [tilespmem:s8+$0xFFFFFFE0]  }
0x176: {  	v1 =	vld [tilespmem:s8+$0xFFFFFFF0]  }
0x177: {  	v3 =	vld [tilespmem:s8+$0x20]  }
0x178: {  	v4 =	vld [tilespmem:s8+$0xFFFFFFD0]  }
0x179: {  	v9 =	vmul.f32 v5, v2;
	v5 =	vld [tilespmem:s8+$0x0]  }
0x17a: {  	v7 =	vmul.f32 v6, v2  }
0x17b: {  	s19 =	simm.s32 $0x1;
	s25 =	simm.s32 $0x19040;
	v6 =	vmul.f32 v10, v2;
	v8 =	vmul.f32 v8, v2  }
.LBB2_8:
0x17c: {  	p2 =	sne.s32 s19, $0x3F  }
0x17d: {  	v4 =	vmul.f32 v4, v2;
	v3 =	vmul.f32 v3, v2;
	[tilespmem:s8+$0x30] =	vst v9;
	s25 =	sadd.s32 $0x80, s25;
	s26 =	smov.u32 s19;
	s19 =	sadd.s32 $0x1, s19  }
0x17e: {  	[tilespmem:s8+$0xFFFFFFC0] =	vst v7;
	v7 =	vmul.f32 v1, v2;
	v2 =	vmul.f32 v5, v2  }
0x17f: {  	[tilespmem:s8+$0x10] =	vst v8  }
0x180: {  	v5 =	vmov s26;
	[tilespmem:s8+$0xFFFFFFE0] =	vst v6  }
0x181: {  	v1 =	vld [tilespmem:s25+$0xFFFFFFF0];
	[tilespmem:s8+$0xFFFFFFF0] =	vst v7  }
0x182: {  	v6 =	vld [tilespmem:s25+$0x30];
	[tilespmem:s8+$0x0] =	vst v2  }
0x183: {  	v8 =	vld [tilespmem:s25+$0x10];
	[tilespmem:s8+$0x20] =	vst v3  }
0x184: {  	v7 =	vld [tilespmem:s25+$0xFFFFFFC0];
	[tilespmem:s8+$0xFFFFFFD0] =	vst v4;
	s8 =	smov.u32 s25  }
0x185: {  	v2 =	vld.idx.msk [tilespmem:v5+s18+$0x0], $0xffff  }
0x186: {  	v10 =	vld [tilespmem:s25+$0xFFFFFFE0]  }
0x187: {  	v3 =	vld [tilespmem:s25+$0x20]  }
.Ltmp14:
0x188: {  	v4 =	vld [tilespmem:s25+$0xFFFFFFD0];
	(pc) =	sbr.rel @p2 .LBB2_8-.Ltmp14, $3  }
0x189: {  	v5 =	vld [tilespmem:s25+$0x0];
	_ =	sdelay $0x1  }
0x18a: {  	v7 =	vmul.f32 v7, v2;
	v9 =	vmul.f32 v6, v2  }
0x18b: {  	v8 =	vmul.f32 v8, v2;
	v6 =	vmul.f32 v10, v2  }
0x18c: {  	[tilespmem:s8+$0x30] =	vst v9  }
0x18d: {  	[tilespmem:s8+$0xFFFFFFC0] =	vst v7  }
0x18e: {  	v1 =	vmul.f32 v1, v2;
	[tilespmem:s8+$0x10] =	vst v8  }
0x18f: {  	v3 =	vmul.f32 v3, v2;
	[tilespmem:s8+$0xFFFFFFE0] =	vst v6  }
0x190: {  	v5 =	vmul.f32 v5, v2;
	[tilespmem:s8+$0xFFFFFFF0] =	vst v1  }
0x191: {  	v1 =	vmul.f32 v4, v2;
	[tilespmem:s8+$0x20] =	vst v3  }
0x192: {  	[tilespmem:s8+$0x0] =	vst v5  }
0x193: {  	s4 =	sadd.s32 $0x15000, s4;
	[tilespmem:s8+$0xFFFFFFD0] =	vst v1  }
0x194: {  	[spmem:s2] =	stream.indirect.scatter.add.f32 [tilespmem:s30], [sflag:$0x5], $0x80, s4, s28, $0xb8;
	[tilespmem:$0x1F000] =	vst v63  }
0x195: {  	_ =	swait.ge [sflag:s23], $0x2000  }
0x196: {  	s18 =	simm.s32 @!p1 $0x19000;
	[sflag:s23] =	ssyncset.done $0x0  }
0x197: {  	s8 =	simm.s32 @!p1 $0x40;
	s4 =	sadd.s32 @!p1 $0x14280, s21;
	[sflag:s23] =	ssyncadd.s32 $0xFFFFE000  }
0x198: {  	[tilespmem:s18], [sflag:$0x2] =	stream.indirect.gather @!p1 [hbm4b:s1+s8], $0x80, s4, s8, $0xb8;
	[tilespmem:$0x1F000] =	vst v63  }
0x199: {  	s25 =	simm.s32 $0x0;
	_ =	swait.ge [sflag:s12], $0x2000  }
0x19a: {  	v1 =	vmov s25;
	[sflag:s12] =	ssyncset.done $0x0  }
0x19b: {  	s8 =	simm.s32 $0x1B040;
	[sflag:s12] =	ssyncadd.s32 $0xFFFFE000  }
0x19c: {  	s26 =	sor.u32 $0x400, s20;
	v5 =	vld [tilespmem:s8+$0x30]  }
0x19d: {  	s4 =	sshra.s32 s26, $0x2;
	v8 =	vld [tilespmem:s8+$0x10]  }
0x19e: {  	s18 =	sadd.s32 $0x16000, s4;
	v6 =	vld [tilespmem:s8+$0xFFFFFFC0]  }
0x19f: {  	v2 =	vld.idx.msk [tilespmem:v1+s18+$0x0], $0xffff  }
0x1a0: {  	v10 =	vld [tilespmem:s8+$0xFFFFFFE0]  }
0x1a1: {  	v1 =	vld [tilespmem:s8+$0xFFFFFFF0]  }
0x1a2: {  	v3 =	vld [tilespmem:s8+$0x20]  }
0x1a3: {  	v4 =	vld [tilespmem:s8+$0xFFFFFFD0]  }
0x1a4: {  	v9 =	vmul.f32 v5, v2;
	v5 =	vld [tilespmem:s8+$0x0]  }
0x1a5: {  	v7 =	vmul.f32 v6, v2  }
0x1a6: {  	s19 =	simm.s32 $0x1;
	s25 =	simm.s32 $0x1B040;
	v6 =	vmul.f32 v10, v2;
	v8 =	vmul.f32 v8, v2  }
.LBB2_10:
0x1a7: {  	p2 =	sne.s32 s19, $0x3F  }
0x1a8: {  	v4 =	vmul.f32 v4, v2;
	v3 =	vmul.f32 v3, v2;
	[tilespmem:s8+$0x30] =	vst v9;
	s25 =	sadd.s32 $0x80, s25;
	s26 =	smov.u32 s19;
	s19 =	sadd.s32 $0x1, s19  }
0x1a9: {  	[tilespmem:s8+$0xFFFFFFC0] =	vst v7;
	v7 =	vmul.f32 v1, v2;
	v2 =	vmul.f32 v5, v2  }
0x1aa: {  	[tilespmem:s8+$0x10] =	vst v8  }
0x1ab: {  	v5 =	vmov s26;
	[tilespmem:s8+$0xFFFFFFE0] =	vst v6  }
0x1ac: {  	v1 =	vld [tilespmem:s25+$0xFFFFFFF0];
	[tilespmem:s8+$0xFFFFFFF0] =	vst v7  }
0x1ad: {  	v6 =	vld [tilespmem:s25+$0x30];
	[tilespmem:s8+$0x0] =	vst v2  }
0x1ae: {  	v8 =	vld [tilespmem:s25+$0x10];
	[tilespmem:s8+$0x20] =	vst v3  }
0x1af: {  	v7 =	vld [tilespmem:s25+$0xFFFFFFC0];
	[tilespmem:s8+$0xFFFFFFD0] =	vst v4;
	s8 =	smov.u32 s25  }
0x1b0: {  	v2 =	vld.idx.msk [tilespmem:v5+s18+$0x0], $0xffff  }
0x1b1: {  	v10 =	vld [tilespmem:s25+$0xFFFFFFE0]  }
0x1b2: {  	v3 =	vld [tilespmem:s25+$0x20]  }
.Ltmp15:
0x1b3: {  	v4 =	vld [tilespmem:s25+$0xFFFFFFD0];
	(pc) =	sbr.rel @p2 .LBB2_10-.Ltmp15, $3  }
0x1b4: {  	v5 =	vld [tilespmem:s25+$0x0];
	_ =	sdelay $0x1  }
0x1b5: {  	v7 =	vmul.f32 v7, v2;
	v9 =	vmul.f32 v6, v2  }
0x1b6: {  	v8 =	vmul.f32 v8, v2;
	v6 =	vmul.f32 v10, v2  }
0x1b7: {  	[tilespmem:s8+$0x30] =	vst v9  }
0x1b8: {  	[tilespmem:s8+$0xFFFFFFC0] =	vst v7  }
0x1b9: {  	v1 =	vmul.f32 v1, v2;
	[tilespmem:s8+$0x10] =	vst v8  }
0x1ba: {  	v3 =	vmul.f32 v3, v2;
	[tilespmem:s8+$0xFFFFFFE0] =	vst v6  }
0x1bb: {  	v5 =	vmul.f32 v5, v2;
	[tilespmem:s8+$0xFFFFFFF0] =	vst v1  }
0x1bc: {  	v1 =	vmul.f32 v4, v2;
	[tilespmem:s8+$0x20] =	vst v3  }
0x1bd: {  	[tilespmem:s8+$0x0] =	vst v5  }
0x1be: {  	s4 =	sadd.s32 $0x15000, s4;
	[tilespmem:s8+$0xFFFFFFD0] =	vst v1  }
0x1bf: {  	[spmem:s2] =	stream.indirect.scatter.add.f32 [tilespmem:s0], [sflag:$0x5], $0x80, s4, s28, $0xb8;
	[tilespmem:$0x1F000] =	vst v63  }
0x1c0: {  	_ =	swait.ge [sflag:s23], $0x2000  }
0x1c1: {  	s18 =	simm.s32 @!p1 $0x1B000;
	[sflag:s23] =	ssyncset.done $0x0  }
0x1c2: {  	s8 =	simm.s32 @!p1 $0x40;
	s4 =	sadd.s32 @!p1 $0x14300, s21;
	[sflag:s23] =	ssyncadd.s32 $0xFFFFE000  }
0x1c3: {  	[tilespmem:s18], [sflag:$0x3] =	stream.indirect.gather @!p1 [hbm4b:s1+s8], $0x80, s4, s8, $0xb8;
	[tilespmem:$0x1F000] =	vst v63  }
0x1c4: {  	s25 =	simm.s32 $0x0;
	_ =	swait.ge [sflag:s13], $0x2000  }
0x1c5: {  	v1 =	vmov s25;
	[sflag:s13] =	ssyncset.done $0x0  }
0x1c6: {  	s8 =	simm.s32 $0x1D040;
	[sflag:s13] =	ssyncadd.s32 $0xFFFFE000  }
0x1c7: {  	s26 =	sor.u32 $0x600, s20;
	v5 =	vld [tilespmem:s8+$0x30]  }
0x1c8: {  	s4 =	sshra.s32 s26, $0x2;
	v8 =	vld [tilespmem:s8+$0x10]  }
0x1c9: {  	s18 =	sadd.s32 $0x16000, s4;
	v6 =	vld [tilespmem:s8+$0xFFFFFFC0]  }
0x1ca: {  	v2 =	vld.idx.msk [tilespmem:v1+s18+$0x0], $0xffff  }
0x1cb: {  	v10 =	vld [tilespmem:s8+$0xFFFFFFE0]  }
0x1cc: {  	v1 =	vld [tilespmem:s8+$0xFFFFFFF0]  }
0x1cd: {  	v3 =	vld [tilespmem:s8+$0x20]  }
0x1ce: {  	v4 =	vld [tilespmem:s8+$0xFFFFFFD0]  }
0x1cf: {  	v9 =	vmul.f32 v5, v2;
	v5 =	vld [tilespmem:s8+$0x0]  }
0x1d0: {  	v7 =	vmul.f32 v6, v2  }
0x1d1: {  	s19 =	simm.s32 $0x1;
	s20 =	simm.s32 $0x1D040;
	v6 =	vmul.f32 v10, v2;
	v8 =	vmul.f32 v8, v2  }
.LBB2_12:
0x1d2: {  	p2 =	sne.s32 s19, $0x3F  }
0x1d3: {  	v4 =	vmul.f32 v4, v2;
	v3 =	vmul.f32 v3, v2;
	[tilespmem:s8+$0x30] =	vst v9;
	s20 =	sadd.s32 $0x80, s20;
	s21 =	smov.u32 s19;
	s19 =	sadd.s32 $0x1, s19  }
0x1d4: {  	[tilespmem:s8+$0xFFFFFFC0] =	vst v7;
	v7 =	vmul.f32 v1, v2;
	v2 =	vmul.f32 v5, v2  }
0x1d5: {  	[tilespmem:s8+$0x10] =	vst v8  }
0x1d6: {  	v5 =	vmov s21;
	[tilespmem:s8+$0xFFFFFFE0] =	vst v6  }
0x1d7: {  	v1 =	vld [tilespmem:s20+$0xFFFFFFF0];
	[tilespmem:s8+$0xFFFFFFF0] =	vst v7  }
0x1d8: {  	v6 =	vld [tilespmem:s20+$0x30];
	[tilespmem:s8+$0x0] =	vst v2  }
0x1d9: {  	v8 =	vld [tilespmem:s20+$0x10];
	[tilespmem:s8+$0x20] =	vst v3  }
0x1da: {  	v7 =	vld [tilespmem:s20+$0xFFFFFFC0];
	[tilespmem:s8+$0xFFFFFFD0] =	vst v4;
	s8 =	smov.u32 s20  }
0x1db: {  	v2 =	vld.idx.msk [tilespmem:v5+s18+$0x0], $0xffff  }
0x1dc: {  	v10 =	vld [tilespmem:s20+$0xFFFFFFE0]  }
0x1dd: {  	v3 =	vld [tilespmem:s20+$0x20]  }
.Ltmp16:
0x1de: {  	v4 =	vld [tilespmem:s20+$0xFFFFFFD0];
	(pc) =	sbr.rel @p2 .LBB2_12-.Ltmp16, $3  }
0x1df: {  	v5 =	vld [tilespmem:s20+$0x0];
	_ =	sdelay $0x1  }
0x1e0: {  	v7 =	vmul.f32 v7, v2;
	v9 =	vmul.f32 v6, v2  }
0x1e1: {  	v8 =	vmul.f32 v8, v2;
	v6 =	vmul.f32 v10, v2  }
0x1e2: {  	[tilespmem:s8+$0x30] =	vst v9  }
0x1e3: {  	[tilespmem:s8+$0xFFFFFFC0] =	vst v7  }
0x1e4: {  	v1 =	vmul.f32 v1, v2;
	[tilespmem:s8+$0x10] =	vst v8  }
0x1e5: {  	v3 =	vmul.f32 v3, v2;
	[tilespmem:s8+$0xFFFFFFE0] =	vst v6  }
0x1e6: {  	v5 =	vmul.f32 v5, v2;
	[tilespmem:s8+$0xFFFFFFF0] =	vst v1  }
0x1e7: {  	v1 =	vmul.f32 v4, v2;
	[tilespmem:s8+$0x20] =	vst v3  }
0x1e8: {  	[tilespmem:s8+$0x0] =	vst v5  }
.Ltmp17:
0x1e9: {  	s4 =	sadd.s32 $0x15000, s4;
	[tilespmem:s8+$0xFFFFFFD0] =	vst v1;
	(pc) =	sbr.rel @p1 .LBB2_15-.Ltmp17, $4  }
0x1ea: {  	[spmem:s2] =	stream.indirect.scatter.add.f32 [tilespmem:s9], [sflag:$0x5], $0x80, s4, s28, $0xb8;
	[tilespmem:$0x1F000] =	vst v63  }
0x1eb: {  	_ =	swait.ge [sflag:s23], $0x2000  }
0x1ec: {  	[sflag:s23] =	ssyncset.done $0x0  }
0x1ed: {  	[sflag:s23] =	ssyncadd.s32 $0xFFFFE000  }
.Ltmp18:
0x1ee: {  	(pc) =	sbr.rel .LBB2_5-.Ltmp18, $3  }
0x1ef: {  	_ =	sdelay $0x1  }
0x1f0: {  	s4 =	sadd.s32 $0x14380, s17;
	s16 =	sadd.s32 $0x1, s16  }
0x1f1: {  	[tilespmem:s9], [sflag:$0x4] =	stream.indirect.gather [hbm4b:s1+s28], $0x80, s4, s28, $0xb8;
	[tilespmem:$0x1F000] =	vst v63  }
.LBB2_29:
0x1f2: {  	_ =	sfence.sel $0x180000  }
0x1f3: {  	[bflag:$0x0] =	sbarrier.arrive $0xFFFF  }
0x1f4: {  	_ =	strace $0x90000047  }
0x1f5: {  	s0 =	stileid.u32;
	[bflag:$0x2] =	sbarrier.arrive $0xFFFF  }
0x1f6: {  	p0 =	sne.s32 s0, $0x0;
	s0 =	rddreg [dreg:$0x3]  }
0x1f7: {  	s0 =	sadd.s32 @!p0 $0x100000, s0  }
0x1f8: {  	[sflag:s0] =	ssyncadd.tile.s32 @!p0 $0x1;
	_ =	shalt  }
.Lfunc_end2:
_tile_overlayer_lowered:
.L_overlay_start_2:
0x1f9: {  	(tag) =	ssettag $0x2  }
0x1fa: {  	s0 =	rddreg [dreg:$0x0];
	s2 =	stileid.u32  }
0x1fb: {  	s1 =	rddreg [dreg:$0x1];
	p0 =	sne.s32 s2, $0x0  }
0x1fc: {  	s3 =	rddreg [dreg:$0x2];
	[bflag:$0x3] =	sbarrier.arrive $0xFFFF;
	s2 =	simm.s32 @!p0 $0x1C05  }
0x1fd: {  	[timem:s3], [sflag:s2] =	dma.local @!p0 [hbm:s0], s1  }
0x1fe: {  	s0 =	simm.s32 @!p0 $0x5  }
0x1ff: {  	_ =	swait.ge @!p0 [sflag:s0], s1  }
0x200: {  	s1 =	ssub.s32 @!p0 $0x0, s1;
	[sflag:s0] =	ssyncset.done @!p0 $0x0  }
0x201: {  	[sflag:s0] =	ssyncadd.s32 @!p0 s1  }
0x202: {  	[bflag:$0x3] =	sbarrier.arrive $0xFFFF  }
0x203: {  	_ =	shalt  }

</sc_bundles>
